<compile_context>
chip_gen: v7x
topology: tpu7x:2x2x1
jax: 0.10.2.dev20260603
libtpu: 0.0.44.dev20260713+nightly
codegen_flags: <defaults>
</compile_context>

<pallas_src>
import jax
import jax.numpy as jnp
from jax import lax
from jax.experimental import pallas as pl
from jax.experimental.pallas import tpu as pltpu
from jax.experimental.pallas import tpu_sc as plsc

EPS = 0.001
PROX = 0.15

E = 2048
TR = 256
TCOL = 256
SUB = 32
PT = 256
NF = 16

_NC = 2
_NS = 16
_NW = _NC * _NS
_EPW = E // _NW


def _sqrt16(x):
    g = plsc.bitcast(
        lax.shift_right_logical(plsc.bitcast(x, jnp.int32), 1) + 0x1FBD1DF6,
        jnp.float32)
    g = 0.5 * (g + x / g)
    g = 0.5 * (g + x / g)
    g = 0.5 * (g + x / g)
    return g


def _sc_prep(pos_hbm, edge_hbm, rows_hbm, pos_v, src_v, dst_v, rowbuf):
    wid = lax.axis_index("s") * _NC + lax.axis_index("c")
    base = wid * _EPW
    pltpu.sync_copy(pos_hbm, pos_v)
    pltpu.sync_copy(edge_hbm.at[pl.ds(base, _EPW)], src_v)
    pltpu.sync_copy(edge_hbm.at[pl.ds(E + base, _EPW)], dst_v)
    for c in range(_EPW // 16):
        sv = src_v[pl.ds(c * 16, 16)]
        dv = dst_v[pl.ds(c * 16, 16)]
        sx = plsc.load_gather(pos_v, [sv * 2])
        sy = plsc.load_gather(pos_v, [sv * 2 + 1])
        ex = plsc.load_gather(pos_v, [dv * 2])
        ey = plsc.load_gather(pos_v, [dv * 2 + 1])
        dx = ex - sx
        dy = ey - sy
        len2 = dx * dx + dy * dy
        a = jnp.maximum(len2, 1e-12)
        ra = 1.0 / a
        mx = (sx + ex) * 0.5
        my = (sy + ey) * 0.5
        h = 0.5 * _sqrt16(len2)
        sf = sv.astype(jnp.float32)
        df = dv.astype(jnp.float32)
        z = jnp.zeros((16,), jnp.float32)
        fields = [sx, sy, dx, dy, a, ra, mx, my, h, sf, df, z, z, z, z, z]
        eidx = c * 16 + lax.broadcasted_iota(jnp.int32, (16,), 0)
        for fi, val in enumerate(fields):
            fidx = jnp.full((16,), fi, jnp.int32)
            plsc.store_scatter(rowbuf, [eidx, fidx], val)
    pltpu.sync_copy(rowbuf, rows_hbm.at[pl.ds(base, _EPW)])


def _body(rows_ref, out_ref, cols_s, accs_ref, accc_ref):
    i = pl.program_id(0)
    j = pl.program_id(1)

    @pl.when((i == 0) & (j == 0))
    def _init():
        for t in range(E // PT):
            cols_s[:, t * PT:(t + 1) * PT] = rows_ref[t * PT:(t + 1) * PT, :].T
        accs_ref[...] = jnp.zeros((SUB, TCOL), jnp.float32)
        accc_ref[...] = jnp.zeros((SUB, TCOL), jnp.float32)

    @pl.when(j >= i)
    def _compute():
        joff = pl.multiple_of(j * TCOL, TCOL)
        cb = cols_s[:, pl.ds(joff, TCOL)]
        sxj = cb[0:1, :]
        syj = cb[1:2, :]
        dxj = cb[2:3, :]
        dyj = cb[3:4, :]
        ej = cb[4:5, :]
        rej = cb[5:6, :]
        mxj = cb[6:7, :]
        myj = cb[7:8, :]
        hj = cb[8:9, :]
        sfj = cb[9:10, :]
        dfj = cb[10:11, :]
        col_ids = j * TCOL + lax.broadcasted_iota(jnp.int32, (1, TCOL), 1)

        tp = jnp.zeros((SUB, TCOL), jnp.float32)
        tc = jnp.zeros((SUB, TCOL), jnp.float32)
        for k in range(TR // SUB):
            rb = rows_ref[pl.ds(i * TR + k * SUB, SUB), :]
            sxi = rb[:, 0:1]
            syi = rb[:, 1:2]
            dxi = rb[:, 2:3]
            dyi = rb[:, 3:4]
            ai = rb[:, 4:5]
            rai = rb[:, 5:6]
            mxi = rb[:, 6:7]
            myi = rb[:, 7:8]
            hi = rb[:, 8:9]
            sfi = rb[:, 9:10]
            dfi = rb[:, 10:11]

            adj = ((sfi == sfj) | (sfi == dfj) | (dfi == sfj) | (dfi == dfj))
            row_ids = (i * TR + k * SUB
                       + lax.broadcasted_iota(jnp.int32, (SUB, 1), 0))
            tri = col_ids > row_ids
            mdx = mxi - mxj
            mdy = myi - myj
            md2 = mdx * mdx + mdy * mdy
            prox = hi + hj + PROX
            mask = (~adj) & tri & (md2 < prox * prox)
            maskf = mask.astype(jnp.float32)

            b = dxi * dxj + dyi * dyj
            rx = sxi - sxj
            ry = syi - syj
            c = dxi * rx + dyi * ry
            f = dxj * rx + dyj * ry
            rdenom = 1.0 / jnp.maximum(ai * ej - b * b, 1e-12)
            s = jnp.clip((b * f - c * ej) * rdenom, 0.0, 1.0)
            t = jnp.clip((b * s + f) * rej, 0.0, 1.0)
            s = jnp.clip((b * t - c) * rai, 0.0, 1.0)
            ddx = rx + s * dxi - t * dxj
            ddy = ry + s * dyi - t * dyj
            sq = ddx * ddx + ddy * ddy
            dist = jnp.sqrt(jnp.maximum(sq, 1e-24))
            per = jnp.maximum(EPS - dist, 0.0) * maskf

            tp = tp + per
            tc = tc + maskf
        accs_ref[...] += tp
        accc_ref[...] += tc

    @pl.when((i == pl.num_programs(0) - 1) & (j == pl.num_programs(1) - 1))
    def _final():
        total = jnp.sum(accs_ref[...])
        cnt = jnp.sum(accc_ref[...])
        loss = jnp.where(cnt > 0.0, total / jnp.maximum(cnt, 1.0), 0.0)
        out_ref[...] = loss.reshape(1, 1)


def kernel(node_positions, adjacency, edge_index, weight):
    del adjacency, weight
    pos_flat = node_positions.reshape(-1)
    edge_flat = edge_index.reshape(-1)

    sc_prep = pl.kernel(
        _sc_prep,
        out_type=jax.ShapeDtypeStruct((E, NF), jnp.float32),
        mesh=plsc.VectorSubcoreMesh(
            core_axis_name="c", subcore_axis_name="s",
            num_cores=_NC, num_subcores=_NS),
        scratch_types=[
            pltpu.VMEM((2 * E,), jnp.float32),
            pltpu.VMEM((_EPW,), jnp.int32),
            pltpu.VMEM((_EPW,), jnp.int32),
            pltpu.VMEM((_EPW, NF), jnp.float32),
        ],
        compiler_params=pltpu.CompilerParams(
            needs_layout_passes=False, use_tc_tiling_on_sc=False),
    )
    rows = sc_prep(pos_flat, edge_flat)

    loss = pl.pallas_call(
        _body,
        grid=(E // TR, E // TCOL),
        in_specs=[pl.BlockSpec((E, NF), lambda i, j: (0, 0))],
        out_specs=pl.BlockSpec((1, 1), lambda i, j: (0, 0)),
        out_shape=jax.ShapeDtypeStruct((1, 1), jnp.float32),
        scratch_shapes=[
            pltpu.VMEM((NF, E), jnp.float32),
            pltpu.VMEM((SUB, TCOL), jnp.float32),
            pltpu.VMEM((SUB, TCOL), jnp.float32),
        ],
    )(rows)
    return loss.reshape(())

# --- scband reference (transcript-rebuilt; emitter-appended) ---
"""Pipeline reference for scband-spatial-non-intersection-axiom-46480136077416 (READ-ONLY COPY).

The authoritative reference and input builder live on the scoring server;
editing this copy changes nothing except your own understanding.
"""

import jax, jax.numpy as jnp
import numpy as np

EPSILON = 0.001
PROXIMITY_THRESHOLD = 0.15


def _segment_distance(a1, a2, b1, b2):
    d1 = a2 - a1
    d2 = b2 - b1
    r = a1 - b1
    a = jnp.maximum((d1 * d1).sum(-1), 1e-12)
    e = jnp.maximum((d2 * d2).sum(-1), 1e-12)
    b = (d1 * d2).sum(-1)
    c = (d1 * r).sum(-1)
    f = (d2 * r).sum(-1)
    denom = jnp.maximum(a * e - b * b, 1e-12)
    s = jnp.clip((b * f - c * e) / denom, 0.0, 1.0)
    t = jnp.clip((a * f - b * c) / denom, 0.0, 1.0)
    t = jnp.clip((b * s + f) / e, 0.0, 1.0)
    s = jnp.clip((b * t - c) / a, 0.0, 1.0)
    closest_a = a1 + s[..., None] * d1
    closest_b = b1 + t[..., None] * d2
    sq = jnp.sum((closest_a - closest_b) ** 2, axis=-1)
    return jnp.sqrt(jnp.maximum(sq, 1e-24))


def _forward(node_positions, adjacency, edge_index, weight):
    positions = node_positions.reshape(-1, 2)
    src = edge_index[0]
    dst = edge_index[1]
    p_src = positions[src]
    p_dst = positions[dst]
    mid = (p_src + p_dst) * 0.5
    half_len = jnp.sqrt(jnp.sum((p_dst - p_src) ** 2, axis=-1)) * 0.5
    E = src.shape[0]
    edge_adj = ((src[:, None] == src[None, :]) | (src[:, None] == dst[None, :])
                | (dst[:, None] == src[None, :]) | (dst[:, None] == dst[None, :]))
    row = jnp.arange(E)[:, None]
    col = jnp.arange(E)[None, :]
    mask = (~edge_adj) & (col > row)
    md = jnp.sqrt(jnp.sum((mid[:, None, :] - mid[None, :, :]) ** 2, axis=-1))
    prox = half_len[:, None] + half_len[None, :] + PROXIMITY_THRESHOLD
    mask = mask & (md < prox)
    mask = jax.lax.stop_gradient(mask)
    dists = _segment_distance(p_src[:, None, :], p_dst[:, None, :], p_src[None, :, :], p_dst[None, :, :])
    per_pair = jnp.maximum(EPSILON - dists, 0.0) * mask.astype(dists.dtype)
    count = mask.sum()
    loss = jnp.where(count > 0, per_pair.sum() / jnp.maximum(count, 1).astype(dists.dtype), jnp.asarray(0.0, dists.dtype))
    return loss


def setup_inputs(seed: int = 0) -> dict:
    key = jax.random.key(seed)
    k1, k2, k3 = jax.random.split(key, 3)
    node_positions = jax.random.uniform(k1, (1, 2048, 2), dtype=jnp.float32)
    adjacency = jax.random.normal(k2, (1, 2048, 2048), dtype=jnp.float32)
    edge_index = jax.random.randint(k3, (2, 2048), 0, 2048, dtype=jnp.int32)
    weight = jnp.asarray(2.0, dtype=jnp.float32)
    return {"node_positions": node_positions, "adjacency": adjacency, "edge_index": edge_index, "weight": weight}


def reference(node_positions, adjacency, edge_index, weight):
    return _forward(node_positions, adjacency, edge_index, weight)

if __name__ == "__main__":
    import jax
    _d = setup_inputs()
    print(jax.jit(kernel)(*tuple(_d.values())))

</pallas_src>

<mosaic_0001>
#map = affine_map<(d0, d1) -> (0)>
#map1 = affine_map<(d0, d1) -> (0, 0)>
module attributes {stable_mosaic.version = 14 : i64} {
  func.func @_sc_prep(%arg0: i32, %arg1: i32, %arg2: memref<4096xf32, #tpu.memory_space<hbm>>, %arg3: memref<4096xi32, #tpu.memory_space<hbm>>, %arg4: memref<2048x16xf32, #tpu.memory_space<hbm>>, %arg5: memref<4096xf32, #tpu.memory_space<vmem>>, %arg6: memref<64xi32, #tpu.memory_space<vmem>>, %arg7: memref<64xi32, #tpu.memory_space<vmem>>, %arg8: memref<64x16xf32, #tpu.memory_space<vmem>>) attributes {dimension_semantics = [#tpu.dimension_semantics<core_parallel>, #tpu.dimension_semantics<subcore_parallel>], iteration_bounds = array<i64: 2, 16>, scalar_prefetch = 0 : i64, scratch_operands = 4 : i64, tpu.core_type = #tpu.core_type<sc_vector_subcore>, window_params = [{transform_indices = #map}, {transform_indices = #map}, {transform_indices = #map1}]} {
    %mul3A = arith.constant 2 : i32
    %mul3A_0 = arith.muli %arg1, %mul3A : i32
    %add3A = arith.addi %mul3A_0, %arg0 : i32
    %mul3A_1 = arith.constant 64 : i32
    %mul3A_2 = arith.muli %add3A, %mul3A_1 : i32
    "tpu.region"() ({
      %run_scoped3A = tpu.sem_alloc : memref<!tpu.dma_semaphore, #tpu.memory_space<semaphore_mem>>
      tpu.enqueue_dma source(%arg2 : memref<4096xf32, #tpu.memory_space<hbm>>) target(%arg5 : memref<4096xf32, #tpu.memory_space<vmem>>) target_semaphore(%run_scoped3A : memref<!tpu.dma_semaphore, #tpu.memory_space<semaphore_mem>>)
      tpu.wait_dma2 semaphore(%run_scoped3A : memref<!tpu.dma_semaphore, #tpu.memory_space<semaphore_mem>>) src(%arg2 : memref<4096xf32, #tpu.memory_space<hbm>>) dst(%arg5 : memref<4096xf32, #tpu.memory_space<vmem>>)
      tpu.yield
    }) : () -> ()
    "tpu.region"() ({
      %run_scoped3A = tpu.sem_alloc : memref<!tpu.dma_semaphore, #tpu.memory_space<semaphore_mem>>
      %dma_start3A = tpu.memref_slice %arg3[%mul3A_2] : memref<4096xi32, #tpu.memory_space<hbm>> -> memref<64xi32, #tpu.memory_space<hbm>>
      %dma_start3A_439 = tpu.memref_slice %arg3[%mul3A_2] : memref<4096xi32, #tpu.memory_space<hbm>> -> memref<64xi32, #tpu.memory_space<hbm>>
      tpu.enqueue_dma source(%dma_start3A_439 : memref<64xi32, #tpu.memory_space<hbm>>) target(%arg6 : memref<64xi32, #tpu.memory_space<vmem>>) target_semaphore(%run_scoped3A : memref<!tpu.dma_semaphore, #tpu.memory_space<semaphore_mem>>)
      %dma_wait3A = tpu.memref_slice %arg3[%mul3A_2] : memref<4096xi32, #tpu.memory_space<hbm>> -> memref<64xi32, #tpu.memory_space<hbm>>
      %dma_wait3A_440 = tpu.memref_slice %arg3[%mul3A_2] : memref<4096xi32, #tpu.memory_space<hbm>> -> memref<64xi32, #tpu.memory_space<hbm>>
      tpu.wait_dma2 semaphore(%run_scoped3A : memref<!tpu.dma_semaphore, #tpu.memory_space<semaphore_mem>>) src(%dma_wait3A_440 : memref<64xi32, #tpu.memory_space<hbm>>) dst(%arg6 : memref<64xi32, #tpu.memory_space<vmem>>)
      tpu.yield
    }) : () -> ()
    %add3A_3 = arith.constant 2048 : i32
    %add3A_4 = arith.addi %add3A_3, %mul3A_2 : i32
    "tpu.region"() ({
      %run_scoped3A = tpu.sem_alloc : memref<!tpu.dma_semaphore, #tpu.memory_space<semaphore_mem>>
      %dma_start3A = tpu.memref_slice %arg3[%add3A_4] : memref<4096xi32, #tpu.memory_space<hbm>> -> memref<64xi32, #tpu.memory_space<hbm>>
      %dma_start3A_439 = tpu.memref_slice %arg3[%add3A_4] : memref<4096xi32, #tpu.memory_space<hbm>> -> memref<64xi32, #tpu.memory_space<hbm>>
      tpu.enqueue_dma source(%dma_start3A_439 : memref<64xi32, #tpu.memory_space<hbm>>) target(%arg7 : memref<64xi32, #tpu.memory_space<vmem>>) target_semaphore(%run_scoped3A : memref<!tpu.dma_semaphore, #tpu.memory_space<semaphore_mem>>)
      %dma_wait3A = tpu.memref_slice %arg3[%add3A_4] : memref<4096xi32, #tpu.memory_space<hbm>> -> memref<64xi32, #tpu.memory_space<hbm>>
      %dma_wait3A_440 = tpu.memref_slice %arg3[%add3A_4] : memref<4096xi32, #tpu.memory_space<hbm>> -> memref<64xi32, #tpu.memory_space<hbm>>
      tpu.wait_dma2 semaphore(%run_scoped3A : memref<!tpu.dma_semaphore, #tpu.memory_space<semaphore_mem>>) src(%dma_wait3A_440 : memref<64xi32, #tpu.memory_space<hbm>>) dst(%arg7 : memref<64xi32, #tpu.memory_space<vmem>>)
      tpu.yield
    }) : () -> ()
    %get3A = arith.constant 0 : index
    %get3A_5 = tpu.vector_load %arg6[%get3A] {strides = array<i32>} : memref<64xi32, #tpu.memory_space<vmem>>, vector<16xi32>,
    %get3A_6 = arith.constant 0 : index
    %get3A_7 = tpu.vector_load %arg7[%get3A_6] {strides = array<i32>} : memref<64xi32, #tpu.memory_space<vmem>>, vector<16xi32>,
    %mul3A_8 = arith.constant 2 : i32
    %mul3A_9 = vector.broadcast %mul3A_8 : i32 to vector<16xi32>
    %mul3A_10 = arith.muli %get3A_5, %mul3A_9 : vector<16xi32>
    %gather3A = tpu.vector_load_idx %arg5[%mul3A_10] : memref<4096xf32, #tpu.memory_space<vmem>>[vector<16xi32>], vector<16xf32>,
    %mul3A_11 = arith.constant 2 : i32
    %mul3A_12 = vector.broadcast %mul3A_11 : i32 to vector<16xi32>
    %mul3A_13 = arith.muli %get3A_5, %mul3A_12 : vector<16xi32>
    %add3A_14 = arith.constant 1 : i32
    %add3A_15 = vector.broadcast %add3A_14 : i32 to vector<16xi32>
    %add3A_16 = arith.addi %mul3A_13, %add3A_15 : vector<16xi32>
    %gather3A_17 = tpu.vector_load_idx %arg5[%add3A_16] : memref<4096xf32, #tpu.memory_space<vmem>>[vector<16xi32>], vector<16xf32>,
    %mul3A_18 = arith.constant 2 : i32
    %mul3A_19 = vector.broadcast %mul3A_18 : i32 to vector<16xi32>
    %mul3A_20 = arith.muli %get3A_7, %mul3A_19 : vector<16xi32>
    %gather3A_21 = tpu.vector_load_idx %arg5[%mul3A_20] : memref<4096xf32, #tpu.memory_space<vmem>>[vector<16xi32>], vector<16xf32>,
    %mul3A_22 = arith.constant 2 : i32
    %mul3A_23 = vector.broadcast %mul3A_22 : i32 to vector<16xi32>
    %mul3A_24 = arith.muli %get3A_7, %mul3A_23 : vector<16xi32>
    %add3A_25 = arith.constant 1 : i32
    %add3A_26 = vector.broadcast %add3A_25 : i32 to vector<16xi32>
    %add3A_27 = arith.addi %mul3A_24, %add3A_26 : vector<16xi32>
    %gather3A_28 = tpu.vector_load_idx %arg5[%add3A_27] : memref<4096xf32, #tpu.memory_space<vmem>>[vector<16xi32>], vector<16xf32>,
    %sub3A = arith.subf %gather3A_21, %gather3A : vector<16xf32>
    %sub3A_29 = arith.subf %gather3A_28, %gather3A_17 : vector<16xf32>
    %mul3A_30 = arith.mulf %sub3A, %sub3A : vector<16xf32>
    %mul3A_31 = arith.mulf %sub3A_29, %sub3A_29 : vector<16xf32>
    %add3A_32 = arith.addf %mul3A_30, %mul3A_31 : vector<16xf32>
    %max3A = arith.constant 9.99999996E-13 : f32
    %max3A_33 = vector.broadcast %max3A : f32 to vector<16xf32>
    %max3A_34 = arith.maximumf %add3A_32, %max3A_33 : vector<16xf32>
    %div3A = arith.constant 1.000000e+00 : f32
    %div3A_35 = vector.broadcast %div3A : f32 to vector<16xf32>
    %div3A_36 = arith.divf %div3A_35, %max3A_34 : vector<16xf32>
    %add3A_37 = arith.addf %gather3A, %gather3A_21 : vector<16xf32>
    %mul3A_38 = arith.constant 5.000000e-01 : f32
    %mul3A_39 = vector.broadcast %mul3A_38 : f32 to vector<16xf32>
    %mul3A_40 = arith.mulf %add3A_37, %mul3A_39 : vector<16xf32>
    %add3A_41 = arith.addf %gather3A_17, %gather3A_28 : vector<16xf32>
    %mul3A_42 = arith.constant 5.000000e-01 : f32
    %mul3A_43 = vector.broadcast %mul3A_42 : f32 to vector<16xf32>
    %mul3A_44 = arith.mulf %add3A_41, %mul3A_43 : vector<16xf32>
    %bitcast3A = vector.bitcast %add3A_32 : vector<16xf32> to vector<16xi32>
    %shift_right_logical3A = arith.constant 1 : i32
    %shift_right_logical3A_45 = vector.broadcast %shift_right_logical3A : i32 to vector<16xi32>
    %shift_right_logical3A_46 = arith.shrui %bitcast3A, %shift_right_logical3A_45 : vector<16xi32>
    %add3A_47 = arith.constant 532487670 : i32
    %add3A_48 = vector.broadcast %add3A_47 : i32 to vector<16xi32>
    %add3A_49 = arith.addi %shift_right_logical3A_46, %add3A_48 : vector<16xi32>
    %bitcast3A_50 = vector.bitcast %add3A_49 : vector<16xi32> to vector<16xf32>
    %div3A_51 = arith.divf %add3A_32, %bitcast3A_50 : vector<16xf32>
    %add3A_52 = arith.addf %bitcast3A_50, %div3A_51 : vector<16xf32>
    %mul3A_53 = arith.constant 5.000000e-01 : f32
    %mul3A_54 = vector.broadcast %mul3A_53 : f32 to vector<16xf32>
    %mul3A_55 = arith.mulf %mul3A_54, %add3A_52 : vector<16xf32>
    %div3A_56 = arith.divf %add3A_32, %mul3A_55 : vector<16xf32>
    %add3A_57 = arith.addf %mul3A_55, %div3A_56 : vector<16xf32>
    %mul3A_58 = arith.constant 5.000000e-01 : f32
    %mul3A_59 = vector.broadcast %mul3A_58 : f32 to vector<16xf32>
    %mul3A_60 = arith.mulf %mul3A_59, %add3A_57 : vector<16xf32>
    %div3A_61 = arith.divf %add3A_32, %mul3A_60 : vector<16xf32>
    %add3A_62 = arith.addf %mul3A_60, %div3A_61 : vector<16xf32>
    %mul3A_63 = arith.constant 5.000000e-01 : f32
    %mul3A_64 = vector.broadcast %mul3A_63 : f32 to vector<16xf32>
    %mul3A_65 = arith.mulf %mul3A_64, %add3A_62 : vector<16xf32>
    %mul3A_66 = arith.constant 5.000000e-01 : f32
    %mul3A_67 = vector.broadcast %mul3A_66 : f32 to vector<16xf32>
    %mul3A_68 = arith.mulf %mul3A_67, %mul3A_65 : vector<16xf32>
    %convert_element_type3A = arith.sitofp %get3A_5 : vector<16xi32> to vector<16xf32>
    %convert_element_type3A_69 = arith.sitofp %get3A_7 : vector<16xi32> to vector<16xf32>
    %broadcast_in_dim3A = arith.constant 0.000000e+00 : f32
    %broadcast_in_dim3A_70 = vector.broadcast %broadcast_in_dim3A : f32 to vector<16xf32>
    %iota3A = tpu.iota {dimensions = array<i32: 0>} : vector<16xi32>
    %add3A_71 = arith.constant 0 : i32
    %add3A_72 = vector.broadcast %add3A_71 : i32 to vector<16xi32>
    %add3A_73 = arith.addi %add3A_72, %iota3A : vector<16xi32>
    %broadcast_in_dim3A_74 = arith.constant 0 : i32
    %broadcast_in_dim3A_75 = vector.broadcast %broadcast_in_dim3A_74 : i32 to vector<16xi32>
    tpu.vector_store_idx %arg8[%add3A_73, %broadcast_in_dim3A_75], %gather3A : memref<64x16xf32, #tpu.memory_space<vmem>>[vector<16xi32>, vector<16xi32>], vector<16xf32>,
    %broadcast_in_dim3A_76 = arith.constant 1 : i32
    %broadcast_in_dim3A_77 = vector.broadcast %broadcast_in_dim3A_76 : i32 to vector<16xi32>
    tpu.vector_store_idx %arg8[%add3A_73, %broadcast_in_dim3A_77], %gather3A_17 : memref<64x16xf32, #tpu.memory_space<vmem>>[vector<16xi32>, vector<16xi32>], vector<16xf32>,
    %broadcast_in_dim3A_78 = arith.constant 2 : i32
    %broadcast_in_dim3A_79 = vector.broadcast %broadcast_in_dim3A_78 : i32 to vector<16xi32>
    tpu.vector_store_idx %arg8[%add3A_73, %broadcast_in_dim3A_79], %sub3A : memref<64x16xf32, #tpu.memory_space<vmem>>[vector<16xi32>, vector<16xi32>], vector<16xf32>,
    %broadcast_in_dim3A_80 = arith.constant 3 : i32
    %broadcast_in_dim3A_81 = vector.broadcast %broadcast_in_dim3A_80 : i32 to vector<16xi32>
    tpu.vector_store_idx %arg8[%add3A_73, %broadcast_in_dim3A_81], %sub3A_29 : memref<64x16xf32, #tpu.memory_space<vmem>>[vector<16xi32>, vector<16xi32>], vector<16xf32>,
    %broadcast_in_dim3A_82 = arith.constant 4 : i32
    %broadcast_in_dim3A_83 = vector.broadcast %broadcast_in_dim3A_82 : i32 to vector<16xi32>
    tpu.vector_store_idx %arg8[%add3A_73, %broadcast_in_dim3A_83], %max3A_34 : memref<64x16xf32, #tpu.memory_space<vmem>>[vector<16xi32>, vector<16xi32>], vector<16xf32>,
    %broadcast_in_dim3A_84 = arith.constant 5 : i32
    %broadcast_in_dim3A_85 = vector.broadcast %broadcast_in_dim3A_84 : i32 to vector<16xi32>
    tpu.vector_store_idx %arg8[%add3A_73, %broadcast_in_dim3A_85], %div3A_36 : memref<64x16xf32, #tpu.memory_space<vmem>>[vector<16xi32>, vector<16xi32>], vector<16xf32>,
    %broadcast_in_dim3A_86 = arith.constant 6 : i32
    %broadcast_in_dim3A_87 = vector.broadcast %broadcast_in_dim3A_86 : i32 to vector<16xi32>
    tpu.vector_store_idx %arg8[%add3A_73, %broadcast_in_dim3A_87], %mul3A_40 : memref<64x16xf32, #tpu.memory_space<vmem>>[vector<16xi32>, vector<16xi32>], vector<16xf32>,
    %broadcast_in_dim3A_88 = arith.constant 7 : i32
    %broadcast_in_dim3A_89 = vector.broadcast %broadcast_in_dim3A_88 : i32 to vector<16xi32>
    tpu.vector_store_idx %arg8[%add3A_73, %broadcast_in_dim3A_89], %mul3A_44 : memref<64x16xf32, #tpu.memory_space<vmem>>[vector<16xi32>, vector<16xi32>], vector<16xf32>,
    %broadcast_in_dim3A_90 = arith.constant 8 : i32
    %broadcast_in_dim3A_91 = vector.broadcast %broadcast_in_dim3A_90 : i32 to vector<16xi32>
    tpu.vector_store_idx %arg8[%add3A_73, %broadcast_in_dim3A_91], %mul3A_68 : memref<64x16xf32, #tpu.memory_space<vmem>>[vector<16xi32>, vector<16xi32>], vector<16xf32>,
    %broadcast_in_dim3A_92 = arith.constant 9 : i32
    %broadcast_in_dim3A_93 = vector.broadcast %broadcast_in_dim3A_92 : i32 to vector<16xi32>
    tpu.vector_store_idx %arg8[%add3A_73, %broadcast_in_dim3A_93], %convert_element_type3A : memref<64x16xf32, #tpu.memory_space<vmem>>[vector<16xi32>, vector<16xi32>], vector<16xf32>,
    %broadcast_in_dim3A_94 = arith.constant 10 : i32
    %broadcast_in_dim3A_95 = vector.broadcast %broadcast_in_dim3A_94 : i32 to vector<16xi32>
    tpu.vector_store_idx %arg8[%add3A_73, %broadcast_in_dim3A_95], %convert_element_type3A_69 : memref<64x16xf32, #tpu.memory_space<vmem>>[vector<16xi32>, vector<16xi32>], vector<16xf32>,
    %broadcast_in_dim3A_96 = arith.constant 11 : i32
    %broadcast_in_dim3A_97 = vector.broadcast %broadcast_in_dim3A_96 : i32 to vector<16xi32>
    tpu.vector_store_idx %arg8[%add3A_73, %broadcast_in_dim3A_97], %broadcast_in_dim3A_70 : memref<64x16xf32, #tpu.memory_space<vmem>>[vector<16xi32>, vector<16xi32>], vector<16xf32>,
    %broadcast_in_dim3A_98 = arith.constant 12 : i32
    %broadcast_in_dim3A_99 = vector.broadcast %broadcast_in_dim3A_98 : i32 to vector<16xi32>
    tpu.vector_store_idx %arg8[%add3A_73, %broadcast_in_dim3A_99], %broadcast_in_dim3A_70 : memref<64x16xf32, #tpu.memory_space<vmem>>[vector<16xi32>, vector<16xi32>], vector<16xf32>,
    %broadcast_in_dim3A_100 = arith.constant 13 : i32
    %broadcast_in_dim3A_101 = vector.broadcast %broadcast_in_dim3A_100 : i32 to vector<16xi32>
    tpu.vector_store_idx %arg8[%add3A_73, %broadcast_in_dim3A_101], %broadcast_in_dim3A_70 : memref<64x16xf32, #tpu.memory_space<vmem>>[vector<16xi32>, vector<16xi32>], vector<16xf32>,
    %broadcast_in_dim3A_102 = arith.constant 14 : i32
    %broadcast_in_dim3A_103 = vector.broadcast %broadcast_in_dim3A_102 : i32 to vector<16xi32>
    tpu.vector_store_idx %arg8[%add3A_73, %broadcast_in_dim3A_103], %broadcast_in_dim3A_70 : memref<64x16xf32, #tpu.memory_space<vmem>>[vector<16xi32>, vector<16xi32>], vector<16xf32>,
    %broadcast_in_dim3A_104 = arith.constant 15 : i32
    %broadcast_in_dim3A_105 = vector.broadcast %broadcast_in_dim3A_104 : i32 to vector<16xi32>
    tpu.vector_store_idx %arg8[%add3A_73, %broadcast_in_dim3A_105], %broadcast_in_dim3A_70 : memref<64x16xf32, #tpu.memory_space<vmem>>[vector<16xi32>, vector<16xi32>], vector<16xf32>,
    %get3A_106 = arith.constant 16 : index
    %get3A_107 = tpu.vector_load %arg6[%get3A_106] {strides = array<i32>} : memref<64xi32, #tpu.memory_space<vmem>>, vector<16xi32>,
    %get3A_108 = arith.constant 16 : index
    %get3A_109 = tpu.vector_load %arg7[%get3A_108] {strides = array<i32>} : memref<64xi32, #tpu.memory_space<vmem>>, vector<16xi32>,
    %mul3A_110 = arith.constant 2 : i32
    %mul3A_111 = vector.broadcast %mul3A_110 : i32 to vector<16xi32>
    %mul3A_112 = arith.muli %get3A_107, %mul3A_111 : vector<16xi32>
    %gather3A_113 = tpu.vector_load_idx %arg5[%mul3A_112] : memref<4096xf32, #tpu.memory_space<vmem>>[vector<16xi32>], vector<16xf32>,
    %mul3A_114 = arith.constant 2 : i32
    %mul3A_115 = vector.broadcast %mul3A_114 : i32 to vector<16xi32>
    %mul3A_116 = arith.muli %get3A_107, %mul3A_115 : vector<16xi32>
    %add3A_117 = arith.constant 1 : i32
    %add3A_118 = vector.broadcast %add3A_117 : i32 to vector<16xi32>
    %add3A_119 = arith.addi %mul3A_116, %add3A_118 : vector<16xi32>
    %gather3A_120 = tpu.vector_load_idx %arg5[%add3A_119] : memref<4096xf32, #tpu.memory_space<vmem>>[vector<16xi32>], vector<16xf32>,
    %mul3A_121 = arith.constant 2 : i32
    %mul3A_122 = vector.broadcast %mul3A_121 : i32 to vector<16xi32>
    %mul3A_123 = arith.muli %get3A_109, %mul3A_122 : vector<16xi32>
    %gather3A_124 = tpu.vector_load_idx %arg5[%mul3A_123] : memref<4096xf32, #tpu.memory_space<vmem>>[vector<16xi32>], vector<16xf32>,
    %mul3A_125 = arith.constant 2 : i32
    %mul3A_126 = vector.broadcast %mul3A_125 : i32 to vector<16xi32>
    %mul3A_127 = arith.muli %get3A_109, %mul3A_126 : vector<16xi32>
    %add3A_128 = arith.constant 1 : i32
    %add3A_129 = vector.broadcast %add3A_128 : i32 to vector<16xi32>
    %add3A_130 = arith.addi %mul3A_127, %add3A_129 : vector<16xi32>
    %gather3A_131 = tpu.vector_load_idx %arg5[%add3A_130] : memref<4096xf32, #tpu.memory_space<vmem>>[vector<16xi32>], vector<16xf32>,
    %sub3A_132 = arith.subf %gather3A_124, %gather3A_113 : vector<16xf32>
    %sub3A_133 = arith.subf %gather3A_131, %gather3A_120 : vector<16xf32>
    %mul3A_134 = arith.mulf %sub3A_132, %sub3A_132 : vector<16xf32>
    %mul3A_135 = arith.mulf %sub3A_133, %sub3A_133 : vector<16xf32>
    %add3A_136 = arith.addf %mul3A_134, %mul3A_135 : vector<16xf32>
    %max3A_137 = arith.constant 9.99999996E-13 : f32
    %max3A_138 = vector.broadcast %max3A_137 : f32 to vector<16xf32>
    %max3A_139 = arith.maximumf %add3A_136, %max3A_138 : vector<16xf32>
    %div3A_140 = arith.constant 1.000000e+00 : f32
    %div3A_141 = vector.broadcast %div3A_140 : f32 to vector<16xf32>
    %div3A_142 = arith.divf %div3A_141, %max3A_139 : vector<16xf32>
    %add3A_143 = arith.addf %gather3A_113, %gather3A_124 : vector<16xf32>
    %mul3A_144 = arith.constant 5.000000e-01 : f32
    %mul3A_145 = vector.broadcast %mul3A_144 : f32 to vector<16xf32>
    %mul3A_146 = arith.mulf %add3A_143, %mul3A_145 : vector<16xf32>
    %add3A_147 = arith.addf %gather3A_120, %gather3A_131 : vector<16xf32>
    %mul3A_148 = arith.constant 5.000000e-01 : f32
    %mul3A_149 = vector.broadcast %mul3A_148 : f32 to vector<16xf32>
    %mul3A_150 = arith.mulf %add3A_147, %mul3A_149 : vector<16xf32>
    %bitcast3A_151 = vector.bitcast %add3A_136 : vector<16xf32> to vector<16xi32>
    %shift_right_logical3A_152 = arith.constant 1 : i32
    %shift_right_logical3A_153 = vector.broadcast %shift_right_logical3A_152 : i32 to vector<16xi32>
    %shift_right_logical3A_154 = arith.shrui %bitcast3A_151, %shift_right_logical3A_153 : vector<16xi32>
    %add3A_155 = arith.constant 532487670 : i32
    %add3A_156 = vector.broadcast %add3A_155 : i32 to vector<16xi32>
    %add3A_157 = arith.addi %shift_right_logical3A_154, %add3A_156 : vector<16xi32>
    %bitcast3A_158 = vector.bitcast %add3A_157 : vector<16xi32> to vector<16xf32>
    %div3A_159 = arith.divf %add3A_136, %bitcast3A_158 : vector<16xf32>
    %add3A_160 = arith.addf %bitcast3A_158, %div3A_159 : vector<16xf32>
    %mul3A_161 = arith.constant 5.000000e-01 : f32
    %mul3A_162 = vector.broadcast %mul3A_161 : f32 to vector<16xf32>
    %mul3A_163 = arith.mulf %mul3A_162, %add3A_160 : vector<16xf32>
    %div3A_164 = arith.divf %add3A_136, %mul3A_163 : vector<16xf32>
    %add3A_165 = arith.addf %mul3A_163, %div3A_164 : vector<16xf32>
    %mul3A_166 = arith.constant 5.000000e-01 : f32
    %mul3A_167 = vector.broadcast %mul3A_166 : f32 to vector<16xf32>
    %mul3A_168 = arith.mulf %mul3A_167, %add3A_165 : vector<16xf32>
    %div3A_169 = arith.divf %add3A_136, %mul3A_168 : vector<16xf32>
    %add3A_170 = arith.addf %mul3A_168, %div3A_169 : vector<16xf32>
    %mul3A_171 = arith.constant 5.000000e-01 : f32
    %mul3A_172 = vector.broadcast %mul3A_171 : f32 to vector<16xf32>
    %mul3A_173 = arith.mulf %mul3A_172, %add3A_170 : vector<16xf32>
    %mul3A_174 = arith.constant 5.000000e-01 : f32
    %mul3A_175 = vector.broadcast %mul3A_174 : f32 to vector<16xf32>
    %mul3A_176 = arith.mulf %mul3A_175, %mul3A_173 : vector<16xf32>
    %convert_element_type3A_177 = arith.sitofp %get3A_107 : vector<16xi32> to vector<16xf32>
    %convert_element_type3A_178 = arith.sitofp %get3A_109 : vector<16xi32> to vector<16xf32>
    %broadcast_in_dim3A_179 = arith.constant 0.000000e+00 : f32
    %broadcast_in_dim3A_180 = vector.broadcast %broadcast_in_dim3A_179 : f32 to vector<16xf32>
    %iota3A_181 = tpu.iota {dimensions = array<i32: 0>} : vector<16xi32>
    %add3A_182 = arith.constant 16 : i32
    %add3A_183 = vector.broadcast %add3A_182 : i32 to vector<16xi32>
    %add3A_184 = arith.addi %add3A_183, %iota3A_181 : vector<16xi32>
    %broadcast_in_dim3A_185 = arith.constant 0 : i32
    %broadcast_in_dim3A_186 = vector.broadcast %broadcast_in_dim3A_185 : i32 to vector<16xi32>
    tpu.vector_store_idx %arg8[%add3A_184, %broadcast_in_dim3A_186], %gather3A_113 : memref<64x16xf32, #tpu.memory_space<vmem>>[vector<16xi32>, vector<16xi32>], vector<16xf32>,
    %broadcast_in_dim3A_187 = arith.constant 1 : i32
    %broadcast_in_dim3A_188 = vector.broadcast %broadcast_in_dim3A_187 : i32 to vector<16xi32>
    tpu.vector_store_idx %arg8[%add3A_184, %broadcast_in_dim3A_188], %gather3A_120 : memref<64x16xf32, #tpu.memory_space<vmem>>[vector<16xi32>, vector<16xi32>], vector<16xf32>,
    %broadcast_in_dim3A_189 = arith.constant 2 : i32
    %broadcast_in_dim3A_190 = vector.broadcast %broadcast_in_dim3A_189 : i32 to vector<16xi32>
    tpu.vector_store_idx %arg8[%add3A_184, %broadcast_in_dim3A_190], %sub3A_132 : memref<64x16xf32, #tpu.memory_space<vmem>>[vector<16xi32>, vector<16xi32>], vector<16xf32>,
    %broadcast_in_dim3A_191 = arith.constant 3 : i32
    %broadcast_in_dim3A_192 = vector.broadcast %broadcast_in_dim3A_191 : i32 to vector<16xi32>
    tpu.vector_store_idx %arg8[%add3A_184, %broadcast_in_dim3A_192], %sub3A_133 : memref<64x16xf32, #tpu.memory_space<vmem>>[vector<16xi32>, vector<16xi32>], vector<16xf32>,
    %broadcast_in_dim3A_193 = arith.constant 4 : i32
    %broadcast_in_dim3A_194 = vector.broadcast %broadcast_in_dim3A_193 : i32 to vector<16xi32>
    tpu.vector_store_idx %arg8[%add3A_184, %broadcast_in_dim3A_194], %max3A_139 : memref<64x16xf32, #tpu.memory_space<vmem>>[vector<16xi32>, vector<16xi32>], vector<16xf32>,
    %broadcast_in_dim3A_195 = arith.constant 5 : i32
    %broadcast_in_dim3A_196 = vector.broadcast %broadcast_in_dim3A_195 : i32 to vector<16xi32>
    tpu.vector_store_idx %arg8[%add3A_184, %broadcast_in_dim3A_196], %div3A_142 : memref<64x16xf32, #tpu.memory_space<vmem>>[vector<16xi32>, vector<16xi32>], vector<16xf32>,
    %broadcast_in_dim3A_197 = arith.constant 6 : i32
    %broadcast_in_dim3A_198 = vector.broadcast %broadcast_in_dim3A_197 : i32 to vector<16xi32>
    tpu.vector_store_idx %arg8[%add3A_184, %broadcast_in_dim3A_198], %mul3A_146 : memref<64x16xf32, #tpu.memory_space<vmem>>[vector<16xi32>, vector<16xi32>], vector<16xf32>,
    %broadcast_in_dim3A_199 = arith.constant 7 : i32
    %broadcast_in_dim3A_200 = vector.broadcast %broadcast_in_dim3A_199 : i32 to vector<16xi32>
    tpu.vector_store_idx %arg8[%add3A_184, %broadcast_in_dim3A_200], %mul3A_150 : memref<64x16xf32, #tpu.memory_space<vmem>>[vector<16xi32>, vector<16xi32>], vector<16xf32>,
    %broadcast_in_dim3A_201 = arith.constant 8 : i32
    %broadcast_in_dim3A_202 = vector.broadcast %broadcast_in_dim3A_201 : i32 to vector<16xi32>
    tpu.vector_store_idx %arg8[%add3A_184, %broadcast_in_dim3A_202], %mul3A_176 : memref<64x16xf32, #tpu.memory_space<vmem>>[vector<16xi32>, vector<16xi32>], vector<16xf32>,
    %broadcast_in_dim3A_203 = arith.constant 9 : i32
    %broadcast_in_dim3A_204 = vector.broadcast %broadcast_in_dim3A_203 : i32 to vector<16xi32>
    tpu.vector_store_idx %arg8[%add3A_184, %broadcast_in_dim3A_204], %convert_element_type3A_177 : memref<64x16xf32, #tpu.memory_space<vmem>>[vector<16xi32>, vector<16xi32>], vector<16xf32>,
    %broadcast_in_dim3A_205 = arith.constant 10 : i32
    %broadcast_in_dim3A_206 = vector.broadcast %broadcast_in_dim3A_205 : i32 to vector<16xi32>
    tpu.vector_store_idx %arg8[%add3A_184, %broadcast_in_dim3A_206], %convert_element_type3A_178 : memref<64x16xf32, #tpu.memory_space<vmem>>[vector<16xi32>, vector<16xi32>], vector<16xf32>,
    %broadcast_in_dim3A_207 = arith.constant 11 : i32
    %broadcast_in_dim3A_208 = vector.broadcast %broadcast_in_dim3A_207 : i32 to vector<16xi32>
    tpu.vector_store_idx %arg8[%add3A_184, %broadcast_in_dim3A_208], %broadcast_in_dim3A_180 : memref<64x16xf32, #tpu.memory_space<vmem>>[vector<16xi32>, vector<16xi32>], vector<16xf32>,
    %broadcast_in_dim3A_209 = arith.constant 12 : i32
    %broadcast_in_dim3A_210 = vector.broadcast %broadcast_in_dim3A_209 : i32 to vector<16xi32>
    tpu.vector_store_idx %arg8[%add3A_184, %broadcast_in_dim3A_210], %broadcast_in_dim3A_180 : memref<64x16xf32, #tpu.memory_space<vmem>>[vector<16xi32>, vector<16xi32>], vector<16xf32>,
    %broadcast_in_dim3A_211 = arith.constant 13 : i32
    %broadcast_in_dim3A_212 = vector.broadcast %broadcast_in_dim3A_211 : i32 to vector<16xi32>
    tpu.vector_store_idx %arg8[%add3A_184, %broadcast_in_dim3A_212], %broadcast_in_dim3A_180 : memref<64x16xf32, #tpu.memory_space<vmem>>[vector<16xi32>, vector<16xi32>], vector<16xf32>,
    %broadcast_in_dim3A_213 = arith.constant 14 : i32
    %broadcast_in_dim3A_214 = vector.broadcast %broadcast_in_dim3A_213 : i32 to vector<16xi32>
    tpu.vector_store_idx %arg8[%add3A_184, %broadcast_in_dim3A_214], %broadcast_in_dim3A_180 : memref<64x16xf32, #tpu.memory_space<vmem>>[vector<16xi32>, vector<16xi32>], vector<16xf32>,
    %broadcast_in_dim3A_215 = arith.constant 15 : i32
    %broadcast_in_dim3A_216 = vector.broadcast %broadcast_in_dim3A_215 : i32 to vector<16xi32>
    tpu.vector_store_idx %arg8[%add3A_184, %broadcast_in_dim3A_216], %broadcast_in_dim3A_180 : memref<64x16xf32, #tpu.memory_space<vmem>>[vector<16xi32>, vector<16xi32>], vector<16xf32>,
    %get3A_217 = arith.constant 32 : index
    %get3A_218 = tpu.vector_load %arg6[%get3A_217] {strides = array<i32>} : memref<64xi32, #tpu.memory_space<vmem>>, vector<16xi32>,
    %get3A_219 = arith.constant 32 : index
    %get3A_220 = tpu.vector_load %arg7[%get3A_219] {strides = array<i32>} : memref<64xi32, #tpu.memory_space<vmem>>, vector<16xi32>,
    %mul3A_221 = arith.constant 2 : i32
    %mul3A_222 = vector.broadcast %mul3A_221 : i32 to vector<16xi32>
    %mul3A_223 = arith.muli %get3A_218, %mul3A_222 : vector<16xi32>
    %gather3A_224 = tpu.vector_load_idx %arg5[%mul3A_223] : memref<4096xf32, #tpu.memory_space<vmem>>[vector<16xi32>], vector<16xf32>,
    %mul3A_225 = arith.constant 2 : i32
    %mul3A_226 = vector.broadcast %mul3A_225 : i32 to vector<16xi32>
    %mul3A_227 = arith.muli %get3A_218, %mul3A_226 : vector<16xi32>
    %add3A_228 = arith.constant 1 : i32
    %add3A_229 = vector.broadcast %add3A_228 : i32 to vector<16xi32>
    %add3A_230 = arith.addi %mul3A_227, %add3A_229 : vector<16xi32>
    %gather3A_231 = tpu.vector_load_idx %arg5[%add3A_230] : memref<4096xf32, #tpu.memory_space<vmem>>[vector<16xi32>], vector<16xf32>,
    %mul3A_232 = arith.constant 2 : i32
    %mul3A_233 = vector.broadcast %mul3A_232 : i32 to vector<16xi32>
    %mul3A_234 = arith.muli %get3A_220, %mul3A_233 : vector<16xi32>
    %gather3A_235 = tpu.vector_load_idx %arg5[%mul3A_234] : memref<4096xf32, #tpu.memory_space<vmem>>[vector<16xi32>], vector<16xf32>,
    %mul3A_236 = arith.constant 2 : i32
    %mul3A_237 = vector.broadcast %mul3A_236 : i32 to vector<16xi32>
    %mul3A_238 = arith.muli %get3A_220, %mul3A_237 : vector<16xi32>
    %add3A_239 = arith.constant 1 : i32
    %add3A_240 = vector.broadcast %add3A_239 : i32 to vector<16xi32>
    %add3A_241 = arith.addi %mul3A_238, %add3A_240 : vector<16xi32>
    %gather3A_242 = tpu.vector_load_idx %arg5[%add3A_241] : memref<4096xf32, #tpu.memory_space<vmem>>[vector<16xi32>], vector<16xf32>,
    %sub3A_243 = arith.subf %gather3A_235, %gather3A_224 : vector<16xf32>
    %sub3A_244 = arith.subf %gather3A_242, %gather3A_231 : vector<16xf32>
    %mul3A_245 = arith.mulf %sub3A_243, %sub3A_243 : vector<16xf32>
    %mul3A_246 = arith.mulf %sub3A_244, %sub3A_244 : vector<16xf32>
    %add3A_247 = arith.addf %mul3A_245, %mul3A_246 : vector<16xf32>
    %max3A_248 = arith.constant 9.99999996E-13 : f32
    %max3A_249 = vector.broadcast %max3A_248 : f32 to vector<16xf32>
    %max3A_250 = arith.maximumf %add3A_247, %max3A_249 : vector<16xf32>
    %div3A_251 = arith.constant 1.000000e+00 : f32
    %div3A_252 = vector.broadcast %div3A_251 : f32 to vector<16xf32>
    %div3A_253 = arith.divf %div3A_252, %max3A_250 : vector<16xf32>
    %add3A_254 = arith.addf %gather3A_224, %gather3A_235 : vector<16xf32>
    %mul3A_255 = arith.constant 5.000000e-01 : f32
    %mul3A_256 = vector.broadcast %mul3A_255 : f32 to vector<16xf32>
    %mul3A_257 = arith.mulf %add3A_254, %mul3A_256 : vector<16xf32>
    %add3A_258 = arith.addf %gather3A_231, %gather3A_242 : vector<16xf32>
    %mul3A_259 = arith.constant 5.000000e-01 : f32
    %mul3A_260 = vector.broadcast %mul3A_259 : f32 to vector<16xf32>
    %mul3A_261 = arith.mulf %add3A_258, %mul3A_260 : vector<16xf32>
    %bitcast3A_262 = vector.bitcast %add3A_247 : vector<16xf32> to vector<16xi32>
    %shift_right_logical3A_263 = arith.constant 1 : i32
    %shift_right_logical3A_264 = vector.broadcast %shift_right_logical3A_263 : i32 to vector<16xi32>
    %shift_right_logical3A_265 = arith.shrui %bitcast3A_262, %shift_right_logical3A_264 : vector<16xi32>
    %add3A_266 = arith.constant 532487670 : i32
    %add3A_267 = vector.broadcast %add3A_266 : i32 to vector<16xi32>
    %add3A_268 = arith.addi %shift_right_logical3A_265, %add3A_267 : vector<16xi32>
    %bitcast3A_269 = vector.bitcast %add3A_268 : vector<16xi32> to vector<16xf32>
    %div3A_270 = arith.divf %add3A_247, %bitcast3A_269 : vector<16xf32>
    %add3A_271 = arith.addf %bitcast3A_269, %div3A_270 : vector<16xf32>
    %mul3A_272 = arith.constant 5.000000e-01 : f32
    %mul3A_273 = vector.broadcast %mul3A_272 : f32 to vector<16xf32>
    %mul3A_274 = arith.mulf %mul3A_273, %add3A_271 : vector<16xf32>
    %div3A_275 = arith.divf %add3A_247, %mul3A_274 : vector<16xf32>
    %add3A_276 = arith.addf %mul3A_274, %div3A_275 : vector<16xf32>
    %mul3A_277 = arith.constant 5.000000e-01 : f32
    %mul3A_278 = vector.broadcast %mul3A_277 : f32 to vector<16xf32>
    %mul3A_279 = arith.mulf %mul3A_278, %add3A_276 : vector<16xf32>
    %div3A_280 = arith.divf %add3A_247, %mul3A_279 : vector<16xf32>
    %add3A_281 = arith.addf %mul3A_279, %div3A_280 : vector<16xf32>
    %mul3A_282 = arith.constant 5.000000e-01 : f32
    %mul3A_283 = vector.broadcast %mul3A_282 : f32 to vector<16xf32>
    %mul3A_284 = arith.mulf %mul3A_283, %add3A_281 : vector<16xf32>
    %mul3A_285 = arith.constant 5.000000e-01 : f32
    %mul3A_286 = vector.broadcast %mul3A_285 : f32 to vector<16xf32>
    %mul3A_287 = arith.mulf %mul3A_286, %mul3A_284 : vector<16xf32>
    %convert_element_type3A_288 = arith.sitofp %get3A_218 : vector<16xi32> to vector<16xf32>
    %convert_element_type3A_289 = arith.sitofp %get3A_220 : vector<16xi32> to vector<16xf32>
    %broadcast_in_dim3A_290 = arith.constant 0.000000e+00 : f32
    %broadcast_in_dim3A_291 = vector.broadcast %broadcast_in_dim3A_290 : f32 to vector<16xf32>
    %iota3A_292 = tpu.iota {dimensions = array<i32: 0>} : vector<16xi32>
    %add3A_293 = arith.constant 32 : i32
    %add3A_294 = vector.broadcast %add3A_293 : i32 to vector<16xi32>
    %add3A_295 = arith.addi %add3A_294, %iota3A_292 : vector<16xi32>
    %broadcast_in_dim3A_296 = arith.constant 0 : i32
    %broadcast_in_dim3A_297 = vector.broadcast %broadcast_in_dim3A_296 : i32 to vector<16xi32>
    tpu.vector_store_idx %arg8[%add3A_295, %broadcast_in_dim3A_297], %gather3A_224 : memref<64x16xf32, #tpu.memory_space<vmem>>[vector<16xi32>, vector<16xi32>], vector<16xf32>,
    %broadcast_in_dim3A_298 = arith.constant 1 : i32
    %broadcast_in_dim3A_299 = vector.broadcast %broadcast_in_dim3A_298 : i32 to vector<16xi32>
    tpu.vector_store_idx %arg8[%add3A_295, %broadcast_in_dim3A_299], %gather3A_231 : memref<64x16xf32, #tpu.memory_space<vmem>>[vector<16xi32>, vector<16xi32>], vector<16xf32>,
    %broadcast_in_dim3A_300 = arith.constant 2 : i32
    %broadcast_in_dim3A_301 = vector.broadcast %broadcast_in_dim3A_300 : i32 to vector<16xi32>
    tpu.vector_store_idx %arg8[%add3A_295, %broadcast_in_dim3A_301], %sub3A_243 : memref<64x16xf32, #tpu.memory_space<vmem>>[vector<16xi32>, vector<16xi32>], vector<16xf32>,
    %broadcast_in_dim3A_302 = arith.constant 3 : i32
    %broadcast_in_dim3A_303 = vector.broadcast %broadcast_in_dim3A_302 : i32 to vector<16xi32>
    tpu.vector_store_idx %arg8[%add3A_295, %broadcast_in_dim3A_303], %sub3A_244 : memref<64x16xf32, #tpu.memory_space<vmem>>[vector<16xi32>, vector<16xi32>], vector<16xf32>,
    %broadcast_in_dim3A_304 = arith.constant 4 : i32
    %broadcast_in_dim3A_305 = vector.broadcast %broadcast_in_dim3A_304 : i32 to vector<16xi32>
    tpu.vector_store_idx %arg8[%add3A_295, %broadcast_in_dim3A_305], %max3A_250 : memref<64x16xf32, #tpu.memory_space<vmem>>[vector<16xi32>, vector<16xi32>], vector<16xf32>,
    %broadcast_in_dim3A_306 = arith.constant 5 : i32
    %broadcast_in_dim3A_307 = vector.broadcast %broadcast_in_dim3A_306 : i32 to vector<16xi32>
    tpu.vector_store_idx %arg8[%add3A_295, %broadcast_in_dim3A_307], %div3A_253 : memref<64x16xf32, #tpu.memory_space<vmem>>[vector<16xi32>, vector<16xi32>], vector<16xf32>,
    %broadcast_in_dim3A_308 = arith.constant 6 : i32
    %broadcast_in_dim3A_309 = vector.broadcast %broadcast_in_dim3A_308 : i32 to vector<16xi32>
    tpu.vector_store_idx %arg8[%add3A_295, %broadcast_in_dim3A_309], %mul3A_257 : memref<64x16xf32, #tpu.memory_space<vmem>>[vector<16xi32>, vector<16xi32>], vector<16xf32>,
    %broadcast_in_dim3A_310 = arith.constant 7 : i32
    %broadcast_in_dim3A_311 = vector.broadcast %broadcast_in_dim3A_310 : i32 to vector<16xi32>
    tpu.vector_store_idx %arg8[%add3A_295, %broadcast_in_dim3A_311], %mul3A_261 : memref<64x16xf32, #tpu.memory_space<vmem>>[vector<16xi32>, vector<16xi32>], vector<16xf32>,
    %broadcast_in_dim3A_312 = arith.constant 8 : i32
    %broadcast_in_dim3A_313 = vector.broadcast %broadcast_in_dim3A_312 : i32 to vector<16xi32>
    tpu.vector_store_idx %arg8[%add3A_295, %broadcast_in_dim3A_313], %mul3A_287 : memref<64x16xf32, #tpu.memory_space<vmem>>[vector<16xi32>, vector<16xi32>], vector<16xf32>,
    %broadcast_in_dim3A_314 = arith.constant 9 : i32
    %broadcast_in_dim3A_315 = vector.broadcast %broadcast_in_dim3A_314 : i32 to vector<16xi32>
    tpu.vector_store_idx %arg8[%add3A_295, %broadcast_in_dim3A_315], %convert_element_type3A_288 : memref<64x16xf32, #tpu.memory_space<vmem>>[vector<16xi32>, vector<16xi32>], vector<16xf32>,
    %broadcast_in_dim3A_316 = arith.constant 10 : i32
    %broadcast_in_dim3A_317 = vector.broadcast %broadcast_in_dim3A_316 : i32 to vector<16xi32>
    tpu.vector_store_idx %arg8[%add3A_295, %broadcast_in_dim3A_317], %convert_element_type3A_289 : memref<64x16xf32, #tpu.memory_space<vmem>>[vector<16xi32>, vector<16xi32>], vector<16xf32>,
    %broadcast_in_dim3A_318 = arith.constant 11 : i32
    %broadcast_in_dim3A_319 = vector.broadcast %broadcast_in_dim3A_318 : i32 to vector<16xi32>
    tpu.vector_store_idx %arg8[%add3A_295, %broadcast_in_dim3A_319], %broadcast_in_dim3A_291 : memref<64x16xf32, #tpu.memory_space<vmem>>[vector<16xi32>, vector<16xi32>], vector<16xf32>,
    %broadcast_in_dim3A_320 = arith.constant 12 : i32
    %broadcast_in_dim3A_321 = vector.broadcast %broadcast_in_dim3A_320 : i32 to vector<16xi32>
    tpu.vector_store_idx %arg8[%add3A_295, %broadcast_in_dim3A_321], %broadcast_in_dim3A_291 : memref<64x16xf32, #tpu.memory_space<vmem>>[vector<16xi32>, vector<16xi32>], vector<16xf32>,
    %broadcast_in_dim3A_322 = arith.constant 13 : i32
    %broadcast_in_dim3A_323 = vector.broadcast %broadcast_in_dim3A_322 : i32 to vector<16xi32>
    tpu.vector_store_idx %arg8[%add3A_295, %broadcast_in_dim3A_323], %broadcast_in_dim3A_291 : memref<64x16xf32, #tpu.memory_space<vmem>>[vector<16xi32>, vector<16xi32>], vector<16xf32>,
    %broadcast_in_dim3A_324 = arith.constant 14 : i32
    %broadcast_in_dim3A_325 = vector.broadcast %broadcast_in_dim3A_324 : i32 to vector<16xi32>
    tpu.vector_store_idx %arg8[%add3A_295, %broadcast_in_dim3A_325], %broadcast_in_dim3A_291 : memref<64x16xf32, #tpu.memory_space<vmem>>[vector<16xi32>, vector<16xi32>], vector<16xf32>,
    %broadcast_in_dim3A_326 = arith.constant 15 : i32
    %broadcast_in_dim3A_327 = vector.broadcast %broadcast_in_dim3A_326 : i32 to vector<16xi32>
    tpu.vector_store_idx %arg8[%add3A_295, %broadcast_in_dim3A_327], %broadcast_in_dim3A_291 : memref<64x16xf32, #tpu.memory_space<vmem>>[vector<16xi32>, vector<16xi32>], vector<16xf32>,
    %get3A_328 = arith.constant 48 : index
    %get3A_329 = tpu.vector_load %arg6[%get3A_328] {strides = array<i32>} : memref<64xi32, #tpu.memory_space<vmem>>, vector<16xi32>,
    %get3A_330 = arith.constant 48 : index
    %get3A_331 = tpu.vector_load %arg7[%get3A_330] {strides = array<i32>} : memref<64xi32, #tpu.memory_space<vmem>>, vector<16xi32>,
    %mul3A_332 = arith.constant 2 : i32
    %mul3A_333 = vector.broadcast %mul3A_332 : i32 to vector<16xi32>
    %mul3A_334 = arith.muli %get3A_329, %mul3A_333 : vector<16xi32>
    %gather3A_335 = tpu.vector_load_idx %arg5[%mul3A_334] : memref<4096xf32, #tpu.memory_space<vmem>>[vector<16xi32>], vector<16xf32>,
    %mul3A_336 = arith.constant 2 : i32
    %mul3A_337 = vector.broadcast %mul3A_336 : i32 to vector<16xi32>
    %mul3A_338 = arith.muli %get3A_329, %mul3A_337 : vector<16xi32>
    %add3A_339 = arith.constant 1 : i32
    %add3A_340 = vector.broadcast %add3A_339 : i32 to vector<16xi32>
    %add3A_341 = arith.addi %mul3A_338, %add3A_340 : vector<16xi32>
    %gather3A_342 = tpu.vector_load_idx %arg5[%add3A_341] : memref<4096xf32, #tpu.memory_space<vmem>>[vector<16xi32>], vector<16xf32>,
    %mul3A_343 = arith.constant 2 : i32
    %mul3A_344 = vector.broadcast %mul3A_343 : i32 to vector<16xi32>
    %mul3A_345 = arith.muli %get3A_331, %mul3A_344 : vector<16xi32>
    %gather3A_346 = tpu.vector_load_idx %arg5[%mul3A_345] : memref<4096xf32, #tpu.memory_space<vmem>>[vector<16xi32>], vector<16xf32>,
    %mul3A_347 = arith.constant 2 : i32
    %mul3A_348 = vector.broadcast %mul3A_347 : i32 to vector<16xi32>
    %mul3A_349 = arith.muli %get3A_331, %mul3A_348 : vector<16xi32>
    %add3A_350 = arith.constant 1 : i32
    %add3A_351 = vector.broadcast %add3A_350 : i32 to vector<16xi32>
    %add3A_352 = arith.addi %mul3A_349, %add3A_351 : vector<16xi32>
    %gather3A_353 = tpu.vector_load_idx %arg5[%add3A_352] : memref<4096xf32, #tpu.memory_space<vmem>>[vector<16xi32>], vector<16xf32>,
    %sub3A_354 = arith.subf %gather3A_346, %gather3A_335 : vector<16xf32>
    %sub3A_355 = arith.subf %gather3A_353, %gather3A_342 : vector<16xf32>
    %mul3A_356 = arith.mulf %sub3A_354, %sub3A_354 : vector<16xf32>
    %mul3A_357 = arith.mulf %sub3A_355, %sub3A_355 : vector<16xf32>
    %add3A_358 = arith.addf %mul3A_356, %mul3A_357 : vector<16xf32>
    %max3A_359 = arith.constant 9.99999996E-13 : f32
    %max3A_360 = vector.broadcast %max3A_359 : f32 to vector<16xf32>
    %max3A_361 = arith.maximumf %add3A_358, %max3A_360 : vector<16xf32>
    %div3A_362 = arith.constant 1.000000e+00 : f32
    %div3A_363 = vector.broadcast %div3A_362 : f32 to vector<16xf32>
    %div3A_364 = arith.divf %div3A_363, %max3A_361 : vector<16xf32>
    %add3A_365 = arith.addf %gather3A_335, %gather3A_346 : vector<16xf32>
    %mul3A_366 = arith.constant 5.000000e-01 : f32
    %mul3A_367 = vector.broadcast %mul3A_366 : f32 to vector<16xf32>
    %mul3A_368 = arith.mulf %add3A_365, %mul3A_367 : vector<16xf32>
    %add3A_369 = arith.addf %gather3A_342, %gather3A_353 : vector<16xf32>
    %mul3A_370 = arith.constant 5.000000e-01 : f32
    %mul3A_371 = vector.broadcast %mul3A_370 : f32 to vector<16xf32>
    %mul3A_372 = arith.mulf %add3A_369, %mul3A_371 : vector<16xf32>
    %bitcast3A_373 = vector.bitcast %add3A_358 : vector<16xf32> to vector<16xi32>
    %shift_right_logical3A_374 = arith.constant 1 : i32
    %shift_right_logical3A_375 = vector.broadcast %shift_right_logical3A_374 : i32 to vector<16xi32>
    %shift_right_logical3A_376 = arith.shrui %bitcast3A_373, %shift_right_logical3A_375 : vector<16xi32>
    %add3A_377 = arith.constant 532487670 : i32
    %add3A_378 = vector.broadcast %add3A_377 : i32 to vector<16xi32>
    %add3A_379 = arith.addi %shift_right_logical3A_376, %add3A_378 : vector<16xi32>
    %bitcast3A_380 = vector.bitcast %add3A_379 : vector<16xi32> to vector<16xf32>
    %div3A_381 = arith.divf %add3A_358, %bitcast3A_380 : vector<16xf32>
    %add3A_382 = arith.addf %bitcast3A_380, %div3A_381 : vector<16xf32>
    %mul3A_383 = arith.constant 5.000000e-01 : f32
    %mul3A_384 = vector.broadcast %mul3A_383 : f32 to vector<16xf32>
    %mul3A_385 = arith.mulf %mul3A_384, %add3A_382 : vector<16xf32>
    %div3A_386 = arith.divf %add3A_358, %mul3A_385 : vector<16xf32>
    %add3A_387 = arith.addf %mul3A_385, %div3A_386 : vector<16xf32>
    %mul3A_388 = arith.constant 5.000000e-01 : f32
    %mul3A_389 = vector.broadcast %mul3A_388 : f32 to vector<16xf32>
    %mul3A_390 = arith.mulf %mul3A_389, %add3A_387 : vector<16xf32>
    %div3A_391 = arith.divf %add3A_358, %mul3A_390 : vector<16xf32>
    %add3A_392 = arith.addf %mul3A_390, %div3A_391 : vector<16xf32>
    %mul3A_393 = arith.constant 5.000000e-01 : f32
    %mul3A_394 = vector.broadcast %mul3A_393 : f32 to vector<16xf32>
    %mul3A_395 = arith.mulf %mul3A_394, %add3A_392 : vector<16xf32>
    %mul3A_396 = arith.constant 5.000000e-01 : f32
    %mul3A_397 = vector.broadcast %mul3A_396 : f32 to vector<16xf32>
    %mul3A_398 = arith.mulf %mul3A_397, %mul3A_395 : vector<16xf32>
    %convert_element_type3A_399 = arith.sitofp %get3A_329 : vector<16xi32> to vector<16xf32>
    %convert_element_type3A_400 = arith.sitofp %get3A_331 : vector<16xi32> to vector<16xf32>
    %broadcast_in_dim3A_401 = arith.constant 0.000000e+00 : f32
    %broadcast_in_dim3A_402 = vector.broadcast %broadcast_in_dim3A_401 : f32 to vector<16xf32>
    %iota3A_403 = tpu.iota {dimensions = array<i32: 0>} : vector<16xi32>
    %add3A_404 = arith.constant 48 : i32
    %add3A_405 = vector.broadcast %add3A_404 : i32 to vector<16xi32>
    %add3A_406 = arith.addi %add3A_405, %iota3A_403 : vector<16xi32>
    %broadcast_in_dim3A_407 = arith.constant 0 : i32
    %broadcast_in_dim3A_408 = vector.broadcast %broadcast_in_dim3A_407 : i32 to vector<16xi32>
    tpu.vector_store_idx %arg8[%add3A_406, %broadcast_in_dim3A_408], %gather3A_335 : memref<64x16xf32, #tpu.memory_space<vmem>>[vector<16xi32>, vector<16xi32>], vector<16xf32>,
    %broadcast_in_dim3A_409 = arith.constant 1 : i32
    %broadcast_in_dim3A_410 = vector.broadcast %broadcast_in_dim3A_409 : i32 to vector<16xi32>
    tpu.vector_store_idx %arg8[%add3A_406, %broadcast_in_dim3A_410], %gather3A_342 : memref<64x16xf32, #tpu.memory_space<vmem>>[vector<16xi32>, vector<16xi32>], vector<16xf32>,
    %broadcast_in_dim3A_411 = arith.constant 2 : i32
    %broadcast_in_dim3A_412 = vector.broadcast %broadcast_in_dim3A_411 : i32 to vector<16xi32>
    tpu.vector_store_idx %arg8[%add3A_406, %broadcast_in_dim3A_412], %sub3A_354 : memref<64x16xf32, #tpu.memory_space<vmem>>[vector<16xi32>, vector<16xi32>], vector<16xf32>,
    %broadcast_in_dim3A_413 = arith.constant 3 : i32
    %broadcast_in_dim3A_414 = vector.broadcast %broadcast_in_dim3A_413 : i32 to vector<16xi32>
    tpu.vector_store_idx %arg8[%add3A_406, %broadcast_in_dim3A_414], %sub3A_355 : memref<64x16xf32, #tpu.memory_space<vmem>>[vector<16xi32>, vector<16xi32>], vector<16xf32>,
    %broadcast_in_dim3A_415 = arith.constant 4 : i32
    %broadcast_in_dim3A_416 = vector.broadcast %broadcast_in_dim3A_415 : i32 to vector<16xi32>
    tpu.vector_store_idx %arg8[%add3A_406, %broadcast_in_dim3A_416], %max3A_361 : memref<64x16xf32, #tpu.memory_space<vmem>>[vector<16xi32>, vector<16xi32>], vector<16xf32>,
    %broadcast_in_dim3A_417 = arith.constant 5 : i32
    %broadcast_in_dim3A_418 = vector.broadcast %broadcast_in_dim3A_417 : i32 to vector<16xi32>
    tpu.vector_store_idx %arg8[%add3A_406, %broadcast_in_dim3A_418], %div3A_364 : memref<64x16xf32, #tpu.memory_space<vmem>>[vector<16xi32>, vector<16xi32>], vector<16xf32>,
    %broadcast_in_dim3A_419 = arith.constant 6 : i32
    %broadcast_in_dim3A_420 = vector.broadcast %broadcast_in_dim3A_419 : i32 to vector<16xi32>
    tpu.vector_store_idx %arg8[%add3A_406, %broadcast_in_dim3A_420], %mul3A_368 : memref<64x16xf32, #tpu.memory_space<vmem>>[vector<16xi32>, vector<16xi32>], vector<16xf32>,
    %broadcast_in_dim3A_421 = arith.constant 7 : i32
    %broadcast_in_dim3A_422 = vector.broadcast %broadcast_in_dim3A_421 : i32 to vector<16xi32>
    tpu.vector_store_idx %arg8[%add3A_406, %broadcast_in_dim3A_422], %mul3A_372 : memref<64x16xf32, #tpu.memory_space<vmem>>[vector<16xi32>, vector<16xi32>], vector<16xf32>,
    %broadcast_in_dim3A_423 = arith.constant 8 : i32
    %broadcast_in_dim3A_424 = vector.broadcast %broadcast_in_dim3A_423 : i32 to vector<16xi32>
    tpu.vector_store_idx %arg8[%add3A_406, %broadcast_in_dim3A_424], %mul3A_398 : memref<64x16xf32, #tpu.memory_space<vmem>>[vector<16xi32>, vector<16xi32>], vector<16xf32>,
    %broadcast_in_dim3A_425 = arith.constant 9 : i32
    %broadcast_in_dim3A_426 = vector.broadcast %broadcast_in_dim3A_425 : i32 to vector<16xi32>
    tpu.vector_store_idx %arg8[%add3A_406, %broadcast_in_dim3A_426], %convert_element_type3A_399 : memref<64x16xf32, #tpu.memory_space<vmem>>[vector<16xi32>, vector<16xi32>], vector<16xf32>,
    %broadcast_in_dim3A_427 = arith.constant 10 : i32
    %broadcast_in_dim3A_428 = vector.broadcast %broadcast_in_dim3A_427 : i32 to vector<16xi32>
    tpu.vector_store_idx %arg8[%add3A_406, %broadcast_in_dim3A_428], %convert_element_type3A_400 : memref<64x16xf32, #tpu.memory_space<vmem>>[vector<16xi32>, vector<16xi32>], vector<16xf32>,
    %broadcast_in_dim3A_429 = arith.constant 11 : i32
    %broadcast_in_dim3A_430 = vector.broadcast %broadcast_in_dim3A_429 : i32 to vector<16xi32>
    tpu.vector_store_idx %arg8[%add3A_406, %broadcast_in_dim3A_430], %broadcast_in_dim3A_402 : memref<64x16xf32, #tpu.memory_space<vmem>>[vector<16xi32>, vector<16xi32>], vector<16xf32>,
    %broadcast_in_dim3A_431 = arith.constant 12 : i32
    %broadcast_in_dim3A_432 = vector.broadcast %broadcast_in_dim3A_431 : i32 to vector<16xi32>
    tpu.vector_store_idx %arg8[%add3A_406, %broadcast_in_dim3A_432], %broadcast_in_dim3A_402 : memref<64x16xf32, #tpu.memory_space<vmem>>[vector<16xi32>, vector<16xi32>], vector<16xf32>,
    %broadcast_in_dim3A_433 = arith.constant 13 : i32
    %broadcast_in_dim3A_434 = vector.broadcast %broadcast_in_dim3A_433 : i32 to vector<16xi32>
    tpu.vector_store_idx %arg8[%add3A_406, %broadcast_in_dim3A_434], %broadcast_in_dim3A_402 : memref<64x16xf32, #tpu.memory_space<vmem>>[vector<16xi32>, vector<16xi32>], vector<16xf32>,
    %broadcast_in_dim3A_435 = arith.constant 14 : i32
    %broadcast_in_dim3A_436 = vector.broadcast %broadcast_in_dim3A_435 : i32 to vector<16xi32>
    tpu.vector_store_idx %arg8[%add3A_406, %broadcast_in_dim3A_436], %broadcast_in_dim3A_402 : memref<64x16xf32, #tpu.memory_space<vmem>>[vector<16xi32>, vector<16xi32>], vector<16xf32>,
    %broadcast_in_dim3A_437 = arith.constant 15 : i32
    %broadcast_in_dim3A_438 = vector.broadcast %broadcast_in_dim3A_437 : i32 to vector<16xi32>
    tpu.vector_store_idx %arg8[%add3A_406, %broadcast_in_dim3A_438], %broadcast_in_dim3A_402 : memref<64x16xf32, #tpu.memory_space<vmem>>[vector<16xi32>, vector<16xi32>], vector<16xf32>,
    "tpu.region"() ({
      %run_scoped3A = tpu.sem_alloc : memref<!tpu.dma_semaphore, #tpu.memory_space<semaphore_mem>>
      %dma_start3A = arith.constant 0 : i32
      %dma_start3A_439 = tpu.memref_slice %arg4[%mul3A_2, %dma_start3A] : memref<2048x16xf32, #tpu.memory_space<hbm>> -> memref<64x16xf32, #tpu.memory_space<hbm>>
      %dma_start3A_440 = arith.constant 0 : i32
      %dma_start3A_441 = tpu.memref_slice %arg4[%mul3A_2, %dma_start3A_440] : memref<2048x16xf32, #tpu.memory_space<hbm>> -> memref<64x16xf32, #tpu.memory_space<hbm>>
      tpu.enqueue_dma source(%arg8 : memref<64x16xf32, #tpu.memory_space<vmem>>) target(%dma_start3A_441 : memref<64x16xf32, #tpu.memory_space<hbm>>) target_semaphore(%run_scoped3A : memref<!tpu.dma_semaphore, #tpu.memory_space<semaphore_mem>>)
      %dma_wait3A = arith.constant 0 : i32
      %dma_wait3A_442 = tpu.memref_slice %arg4[%mul3A_2, %dma_wait3A] : memref<2048x16xf32, #tpu.memory_space<hbm>> -> memref<64x16xf32, #tpu.memory_space<hbm>>
      %dma_wait3A_443 = arith.constant 0 : i32
      %dma_wait3A_444 = tpu.memref_slice %arg4[%mul3A_2, %dma_wait3A_443] : memref<2048x16xf32, #tpu.memory_space<hbm>> -> memref<64x16xf32, #tpu.memory_space<hbm>>
      tpu.wait_dma2 semaphore(%run_scoped3A : memref<!tpu.dma_semaphore, #tpu.memory_space<semaphore_mem>>) src(%arg8 : memref<64x16xf32, #tpu.memory_space<vmem>>) dst(%dma_wait3A_444 : memref<64x16xf32, #tpu.memory_space<hbm>>)
      tpu.yield
    }) : () -> ()
    return
  }
}

module attributes {stable_mosaic.version = 14 : i64} {
  func.func @_body(%arg0: i32, %arg1: i32, %arg2: memref<2048x16xf32, #tpu.memory_space<vmem>>, %arg3: memref<1x1xf32, #tpu.memory_space<vmem>>, %arg4: memref<16x2048xf32, #tpu.memory_space<vmem>>, %arg5: memref<32x256xf32, #tpu.memory_space<vmem>>, %arg6: memref<32x256xf32, #tpu.memory_space<vmem>>) attributes {dimension_semantics = [#tpu.dimension_semantics<arbitrary>, #tpu.dimension_semantics<arbitrary>], iteration_bounds = array<i64: 8, 8>, scalar_prefetch = 0 : i64, scratch_operands = 3 : i64, tpu.core_type = #tpu.core_type<tc>, window_params = [{pipeline_mode = #tpu.pipeline_mode<synchronous>, transform_indices = @transform_0, window_bounds = array<i64: 2048, 16>}, {pipeline_mode = #tpu.pipeline_mode<synchronous>, transform_indices = @transform_1, window_bounds = array<i64: 1, 1>}]} {
    %eq3A = arith.constant 0 : i32
    %eq3A_0 = arith.cmpi eq, %arg0, %eq3A : i32
    %eq3A_1 = arith.constant 0 : i32
    %eq3A_2 = arith.cmpi eq, %arg1, %eq3A_1 : i32
    %and3A = arith.andi %eq3A_0, %eq3A_2 : i1
    %convert_element_type3A = arith.extui %and3A : i1 to i32
    %cond3A = arith.constant 0 : i32
    %cond3A_3 = arith.cmpi ne, %convert_element_type3A, %cond3A : i32
    scf.if %cond3A_3 {
      %get3A = arith.constant 0 : index
      %get3A_15 = arith.constant 0 : index
      %get3A_16 = vector.load %arg2[%get3A, %get3A_15] : memref<2048x16xf32, #tpu.memory_space<vmem>>, vector<256x16xf32>
      %transpose3A = tpu.transpose %get3A_16, [1, 0] : vector<256x16xf32> -> vector<16x256xf32>
      %swap3A = arith.constant 0 : index
      %swap3A_17 = arith.constant 0 : index
      %swap3A_18 = vector.load %arg4[%swap3A, %swap3A_17] : memref<16x2048xf32, #tpu.memory_space<vmem>>, vector<16x256xf32>
      tpu.vector_store %arg4[%swap3A, %swap3A_17], %transpose3A {strides = array<i32>} : memref<16x2048xf32, #tpu.memory_space<vmem>>, vector<16x256xf32>,
      %get3A_19 = arith.constant 256 : index
      %get3A_20 = arith.constant 0 : index
      %get3A_21 = vector.load %arg2[%get3A_19, %get3A_20] : memref<2048x16xf32, #tpu.memory_space<vmem>>, vector<256x16xf32>
      %transpose3A_22 = tpu.transpose %get3A_21, [1, 0] : vector<256x16xf32> -> vector<16x256xf32>
      %swap3A_23 = arith.constant 0 : index
      %swap3A_24 = arith.constant 256 : index
      %swap3A_25 = vector.load %arg4[%swap3A_23, %swap3A_24] : memref<16x2048xf32, #tpu.memory_space<vmem>>, vector<16x256xf32>
      tpu.vector_store %arg4[%swap3A_23, %swap3A_24], %transpose3A_22 {strides = array<i32>} : memref<16x2048xf32, #tpu.memory_space<vmem>>, vector<16x256xf32>,
      %get3A_26 = arith.constant 512 : index
      %get3A_27 = arith.constant 0 : index
      %get3A_28 = vector.load %arg2[%get3A_26, %get3A_27] : memref<2048x16xf32, #tpu.memory_space<vmem>>, vector<256x16xf32>
      %transpose3A_29 = tpu.transpose %get3A_28, [1, 0] : vector<256x16xf32> -> vector<16x256xf32>
      %swap3A_30 = arith.constant 0 : index
      %swap3A_31 = arith.constant 512 : index
      %swap3A_32 = vector.load %arg4[%swap3A_30, %swap3A_31] : memref<16x2048xf32, #tpu.memory_space<vmem>>, vector<16x256xf32>
      tpu.vector_store %arg4[%swap3A_30, %swap3A_31], %transpose3A_29 {strides = array<i32>} : memref<16x2048xf32, #tpu.memory_space<vmem>>, vector<16x256xf32>,
      %get3A_33 = arith.constant 768 : index
      %get3A_34 = arith.constant 0 : index
      %get3A_35 = vector.load %arg2[%get3A_33, %get3A_34] : memref<2048x16xf32, #tpu.memory_space<vmem>>, vector<256x16xf32>
      %transpose3A_36 = tpu.transpose %get3A_35, [1, 0] : vector<256x16xf32> -> vector<16x256xf32>
      %swap3A_37 = arith.constant 0 : index
      %swap3A_38 = arith.constant 768 : index
      %swap3A_39 = vector.load %arg4[%swap3A_37, %swap3A_38] : memref<16x2048xf32, #tpu.memory_space<vmem>>, vector<16x256xf32>
      tpu.vector_store %arg4[%swap3A_37, %swap3A_38], %transpose3A_36 {strides = array<i32>} : memref<16x2048xf32, #tpu.memory_space<vmem>>, vector<16x256xf32>,
      %get3A_40 = arith.constant 1024 : index
      %get3A_41 = arith.constant 0 : index
      %get3A_42 = vector.load %arg2[%get3A_40, %get3A_41] : memref<2048x16xf32, #tpu.memory_space<vmem>>, vector<256x16xf32>
      %transpose3A_43 = tpu.transpose %get3A_42, [1, 0] : vector<256x16xf32> -> vector<16x256xf32>
      %swap3A_44 = arith.constant 0 : index
      %swap3A_45 = arith.constant 1024 : index
      %swap3A_46 = vector.load %arg4[%swap3A_44, %swap3A_45] : memref<16x2048xf32, #tpu.memory_space<vmem>>, vector<16x256xf32>
      tpu.vector_store %arg4[%swap3A_44, %swap3A_45], %transpose3A_43 {strides = array<i32>} : memref<16x2048xf32, #tpu.memory_space<vmem>>, vector<16x256xf32>,
      %get3A_47 = arith.constant 1280 : index
      %get3A_48 = arith.constant 0 : index
      %get3A_49 = vector.load %arg2[%get3A_47, %get3A_48] : memref<2048x16xf32, #tpu.memory_space<vmem>>, vector<256x16xf32>
      %transpose3A_50 = tpu.transpose %get3A_49, [1, 0] : vector<256x16xf32> -> vector<16x256xf32>
      %swap3A_51 = arith.constant 0 : index
      %swap3A_52 = arith.constant 1280 : index
      %swap3A_53 = vector.load %arg4[%swap3A_51, %swap3A_52] : memref<16x2048xf32, #tpu.memory_space<vmem>>, vector<16x256xf32>
      tpu.vector_store %arg4[%swap3A_51, %swap3A_52], %transpose3A_50 {strides = array<i32>} : memref<16x2048xf32, #tpu.memory_space<vmem>>, vector<16x256xf32>,
      %get3A_54 = arith.constant 1536 : index
      %get3A_55 = arith.constant 0 : index
      %get3A_56 = vector.load %arg2[%get3A_54, %get3A_55] : memref<2048x16xf32, #tpu.memory_space<vmem>>, vector<256x16xf32>
      %transpose3A_57 = tpu.transpose %get3A_56, [1, 0] : vector<256x16xf32> -> vector<16x256xf32>
      %swap3A_58 = arith.constant 0 : index
      %swap3A_59 = arith.constant 1536 : index
      %swap3A_60 = vector.load %arg4[%swap3A_58, %swap3A_59] : memref<16x2048xf32, #tpu.memory_space<vmem>>, vector<16x256xf32>
      tpu.vector_store %arg4[%swap3A_58, %swap3A_59], %transpose3A_57 {strides = array<i32>} : memref<16x2048xf32, #tpu.memory_space<vmem>>, vector<16x256xf32>,
      %get3A_61 = arith.constant 1792 : index
      %get3A_62 = arith.constant 0 : index
      %get3A_63 = vector.load %arg2[%get3A_61, %get3A_62] : memref<2048x16xf32, #tpu.memory_space<vmem>>, vector<256x16xf32>
      %transpose3A_64 = tpu.transpose %get3A_63, [1, 0] : vector<256x16xf32> -> vector<16x256xf32>
      %swap3A_65 = arith.constant 0 : index
      %swap3A_66 = arith.constant 1792 : index
      %swap3A_67 = vector.load %arg4[%swap3A_65, %swap3A_66] : memref<16x2048xf32, #tpu.memory_space<vmem>>, vector<16x256xf32>
      tpu.vector_store %arg4[%swap3A_65, %swap3A_66], %transpose3A_64 {strides = array<i32>} : memref<16x2048xf32, #tpu.memory_space<vmem>>, vector<16x256xf32>,
      %broadcast_in_dim3A = arith.constant 0.000000e+00 : f32
      %broadcast_in_dim3A_68 = vector.broadcast %broadcast_in_dim3A : f32 to vector<32x256xf32>
      %swap3A_69 = arith.constant 0 : index
      %swap3A_70 = arith.constant 0 : index
      %swap3A_71 = vector.load %arg5[%swap3A_69, %swap3A_70] : memref<32x256xf32, #tpu.memory_space<vmem>>, vector<32x256xf32>
      tpu.vector_store %arg5[%swap3A_69, %swap3A_70], %broadcast_in_dim3A_68 {strides = array<i32>} : memref<32x256xf32, #tpu.memory_space<vmem>>, vector<32x256xf32>,
      %broadcast_in_dim3A_72 = arith.constant 0.000000e+00 : f32
      %broadcast_in_dim3A_73 = vector.broadcast %broadcast_in_dim3A_72 : f32 to vector<32x256xf32>
      %swap3A_74 = arith.constant 0 : index
      %swap3A_75 = arith.constant 0 : index
      %swap3A_76 = vector.load %arg6[%swap3A_74, %swap3A_75] : memref<32x256xf32, #tpu.memory_space<vmem>>, vector<32x256xf32>
      tpu.vector_store %arg6[%swap3A_74, %swap3A_75], %broadcast_in_dim3A_73 {strides = array<i32>} : memref<32x256xf32, #tpu.memory_space<vmem>>, vector<32x256xf32>,
    } else {
    }
    %ge3A = arith.cmpi sge, %arg1, %arg0 : i32
    %convert_element_type3A_4 = arith.extui %ge3A : i1 to i32
    %cond3A_5 = arith.constant 0 : i32
    %cond3A_6 = arith.cmpi ne, %convert_element_type3A_4, %cond3A_5 : i32
    scf.if %cond3A_6 {
      %mul3A = arith.constant 256 : i32
      %mul3A_15 = arith.muli %arg1, %mul3A : i32
      %multiple_of3A = tpu.assume_multiple %mul3A_15, 256 : i32
      %get3A = arith.constant 0 : index
      %get3A_16 = arith.index_cast %multiple_of3A : i32 to index
      %get3A_17 = vector.load %arg4[%get3A, %get3A_16] : memref<16x2048xf32, #tpu.memory_space<vmem>>, vector<16x256xf32>
      %slice3A = vector.extract_strided_slice %get3A_17 {offsets = [0, 0], sizes = [1, 256], strides = [1, 1]} : vector<16x256xf32> to vector<1x256xf32>
      %slice3A_18 = vector.extract_strided_slice %get3A_17 {offsets = [1, 0], sizes = [1, 256], strides = [1, 1]} : vector<16x256xf32> to vector<1x256xf32>
      %slice3A_19 = vector.extract_strided_slice %get3A_17 {offsets = [2, 0], sizes = [1, 256], strides = [1, 1]} : vector<16x256xf32> to vector<1x256xf32>
      %slice3A_20 = vector.extract_strided_slice %get3A_17 {offsets = [3, 0], sizes = [1, 256], strides = [1, 1]} : vector<16x256xf32> to vector<1x256xf32>
      %slice3A_21 = vector.extract_strided_slice %get3A_17 {offsets = [4, 0], sizes = [1, 256], strides = [1, 1]} : vector<16x256xf32> to vector<1x256xf32>
      %slice3A_22 = vector.extract_strided_slice %get3A_17 {offsets = [5, 0], sizes = [1, 256], strides = [1, 1]} : vector<16x256xf32> to vector<1x256xf32>
      %slice3A_23 = vector.extract_strided_slice %get3A_17 {offsets = [6, 0], sizes = [1, 256], strides = [1, 1]} : vector<16x256xf32> to vector<1x256xf32>
      %slice3A_24 = vector.extract_strided_slice %get3A_17 {offsets = [7, 0], sizes = [1, 256], strides = [1, 1]} : vector<16x256xf32> to vector<1x256xf32>
      %slice3A_25 = vector.extract_strided_slice %get3A_17 {offsets = [8, 0], sizes = [1, 256], strides = [1, 1]} : vector<16x256xf32> to vector<1x256xf32>
      %slice3A_26 = vector.extract_strided_slice %get3A_17 {offsets = [9, 0], sizes = [1, 256], strides = [1, 1]} : vector<16x256xf32> to vector<1x256xf32>
      %slice3A_27 = vector.extract_strided_slice %get3A_17 {offsets = [10, 0], sizes = [1, 256], strides = [1, 1]} : vector<16x256xf32> to vector<1x256xf32>
      %mul3A_28 = arith.constant 256 : i32
      %mul3A_29 = arith.muli %arg1, %mul3A_28 : i32
      %iota3A = tpu.iota {dimensions = array<i32: 1>} : vector<1x256xi32>
      %add3A = vector.broadcast %mul3A_29 : i32 to vector<1x256xi32>
      %add3A_30 = arith.addi %add3A, %iota3A : vector<1x256xi32>
      %broadcast_in_dim3A = arith.constant 0.000000e+00 : f32
      %broadcast_in_dim3A_31 = vector.broadcast %broadcast_in_dim3A : f32 to vector<32x256xf32>
      %broadcast_in_dim3A_32 = arith.constant 0.000000e+00 : f32
      %broadcast_in_dim3A_33 = vector.broadcast %broadcast_in_dim3A_32 : f32 to vector<32x256xf32>
      %mul3A_34 = arith.constant 256 : i32
      %mul3A_35 = arith.muli %arg0, %mul3A_34 : i32
      %add3A_36 = arith.constant 0 : i32
      %add3A_37 = arith.addi %mul3A_35, %add3A_36 : i32
      %get3A_38 = arith.index_cast %add3A_37 : i32 to index
      %get3A_39 = arith.constant 0 : index
      %get3A_40 = vector.load %arg2[%get3A_38, %get3A_39] : memref<2048x16xf32, #tpu.memory_space<vmem>>, vector<32x16xf32>
      %slice3A_41 = vector.extract_strided_slice %get3A_40 {offsets = [0, 0], sizes = [32, 1], strides = [1, 1]} : vector<32x16xf32> to vector<32x1xf32>
      %slice3A_42 = vector.extract_strided_slice %get3A_40 {offsets = [0, 1], sizes = [32, 1], strides = [1, 1]} : vector<32x16xf32> to vector<32x1xf32>
      %slice3A_43 = vector.extract_strided_slice %get3A_40 {offsets = [0, 2], sizes = [32, 1], strides = [1, 1]} : vector<32x16xf32> to vector<32x1xf32>
      %slice3A_44 = vector.extract_strided_slice %get3A_40 {offsets = [0, 3], sizes = [32, 1], strides = [1, 1]} : vector<32x16xf32> to vector<32x1xf32>
      %slice3A_45 = vector.extract_strided_slice %get3A_40 {offsets = [0, 4], sizes = [32, 1], strides = [1, 1]} : vector<32x16xf32> to vector<32x1xf32>
      %slice3A_46 = vector.extract_strided_slice %get3A_40 {offsets = [0, 5], sizes = [32, 1], strides = [1, 1]} : vector<32x16xf32> to vector<32x1xf32>
      %slice3A_47 = vector.extract_strided_slice %get3A_40 {offsets = [0, 6], sizes = [32, 1], strides = [1, 1]} : vector<32x16xf32> to vector<32x1xf32>
      %slice3A_48 = vector.extract_strided_slice %get3A_40 {offsets = [0, 7], sizes = [32, 1], strides = [1, 1]} : vector<32x16xf32> to vector<32x1xf32>
      %slice3A_49 = vector.extract_strided_slice %get3A_40 {offsets = [0, 8], sizes = [32, 1], strides = [1, 1]} : vector<32x16xf32> to vector<32x1xf32>
      %slice3A_50 = vector.extract_strided_slice %get3A_40 {offsets = [0, 9], sizes = [32, 1], strides = [1, 1]} : vector<32x16xf32> to vector<32x1xf32>
      %slice3A_51 = vector.extract_strided_slice %get3A_40 {offsets = [0, 10], sizes = [32, 1], strides = [1, 1]} : vector<32x16xf32> to vector<32x1xf32>
      %eq3A_52 = vector.broadcast %slice3A_50 : vector<32x1xf32> to vector<32x256xf32>
      %eq3A_53 = vector.broadcast %slice3A_26 : vector<1x256xf32> to vector<32x256xf32>
      %eq3A_54 = arith.cmpf oeq, %eq3A_52, %eq3A_53 : vector<32x256xf32>
      %eq3A_55 = vector.broadcast %slice3A_50 : vector<32x1xf32> to vector<32x256xf32>
      %eq3A_56 = vector.broadcast %slice3A_27 : vector<1x256xf32> to vector<32x256xf32>
      %eq3A_57 = arith.cmpf oeq, %eq3A_55, %eq3A_56 : vector<32x256xf32>
      %or3A = arith.ori %eq3A_54, %eq3A_57 : vector<32x256xi1>
      %eq3A_58 = vector.broadcast %slice3A_51 : vector<32x1xf32> to vector<32x256xf32>
      %eq3A_59 = vector.broadcast %slice3A_26 : vector<1x256xf32> to vector<32x256xf32>
      %eq3A_60 = arith.cmpf oeq, %eq3A_58, %eq3A_59 : vector<32x256xf32>
      %or3A_61 = arith.ori %or3A, %eq3A_60 : vector<32x256xi1>
      %eq3A_62 = vector.broadcast %slice3A_51 : vector<32x1xf32> to vector<32x256xf32>
      %eq3A_63 = vector.broadcast %slice3A_27 : vector<1x256xf32> to vector<32x256xf32>
      %eq3A_64 = arith.cmpf oeq, %eq3A_62, %eq3A_63 : vector<32x256xf32>
      %or3A_65 = arith.ori %or3A_61, %eq3A_64 : vector<32x256xi1>
      %mul3A_66 = arith.constant 256 : i32
      %mul3A_67 = arith.muli %arg0, %mul3A_66 : i32
      %add3A_68 = arith.constant 0 : i32
      %add3A_69 = arith.addi %mul3A_67, %add3A_68 : i32
      %iota3A_70 = tpu.iota {dimensions = array<i32: 0>} : vector<32x1xi32>
      %add3A_71 = vector.broadcast %add3A_69 : i32 to vector<32x1xi32>
      %add3A_72 = arith.addi %add3A_71, %iota3A_70 : vector<32x1xi32>
      %gt3A = vector.broadcast %add3A_30 : vector<1x256xi32> to vector<32x256xi32>
      %gt3A_73 = vector.broadcast %add3A_72 : vector<32x1xi32> to vector<32x256xi32>
      %gt3A_74 = arith.cmpi sgt, %gt3A, %gt3A_73 : vector<32x256xi32>
      %sub3A = vector.broadcast %slice3A_47 : vector<32x1xf32> to vector<32x256xf32>
      %sub3A_75 = vector.broadcast %slice3A_23 : vector<1x256xf32> to vector<32x256xf32>
      %sub3A_76 = arith.subf %sub3A, %sub3A_75 : vector<32x256xf32>
      %sub3A_77 = vector.broadcast %slice3A_48 : vector<32x1xf32> to vector<32x256xf32>
      %sub3A_78 = vector.broadcast %slice3A_24 : vector<1x256xf32> to vector<32x256xf32>
      %sub3A_79 = arith.subf %sub3A_77, %sub3A_78 : vector<32x256xf32>
      %mul3A_80 = arith.mulf %sub3A_76, %sub3A_76 : vector<32x256xf32>
      %mul3A_81 = arith.mulf %sub3A_79, %sub3A_79 : vector<32x256xf32>
      %add3A_82 = arith.addf %mul3A_80, %mul3A_81 : vector<32x256xf32>
      %add3A_83 = vector.broadcast %slice3A_49 : vector<32x1xf32> to vector<32x256xf32>
      %add3A_84 = vector.broadcast %slice3A_25 : vector<1x256xf32> to vector<32x256xf32>
      %add3A_85 = arith.addf %add3A_83, %add3A_84 : vector<32x256xf32>
      %add3A_86 = arith.constant 1.500000e-01 : f32
      %add3A_87 = vector.broadcast %add3A_86 : f32 to vector<32x256xf32>
      %add3A_88 = arith.addf %add3A_85, %add3A_87 : vector<32x256xf32>
      %not3A = arith.constant dense<true> : vector<32x256xi1>
      %not3A_89 = arith.xori %or3A_65, %not3A : vector<32x256xi1>
      %and3A_90 = arith.andi %not3A_89, %gt3A_74 : vector<32x256xi1>
      %mul3A_91 = arith.mulf %add3A_88, %add3A_88 : vector<32x256xf32>
      %lt3A = arith.cmpf olt, %add3A_82, %mul3A_91 : vector<32x256xf32>
      %and3A_92 = arith.andi %and3A_90, %lt3A : vector<32x256xi1>
      %convert_element_type3A_93 = arith.extui %and3A_92 : vector<32x256xi1> to vector<32x256xi32>
      %convert_element_type3A_94 = arith.sitofp %convert_element_type3A_93 : vector<32x256xi32> to vector<32x256xf32>
      %mul3A_95 = vector.broadcast %slice3A_43 : vector<32x1xf32> to vector<32x256xf32>
      %mul3A_96 = vector.broadcast %slice3A_19 : vector<1x256xf32> to vector<32x256xf32>
      %mul3A_97 = arith.mulf %mul3A_95, %mul3A_96 : vector<32x256xf32>
      %mul3A_98 = vector.broadcast %slice3A_44 : vector<32x1xf32> to vector<32x256xf32>
      %mul3A_99 = vector.broadcast %slice3A_20 : vector<1x256xf32> to vector<32x256xf32>
      %mul3A_100 = arith.mulf %mul3A_98, %mul3A_99 : vector<32x256xf32>
      %add3A_101 = arith.addf %mul3A_97, %mul3A_100 : vector<32x256xf32>
      %sub3A_102 = vector.broadcast %slice3A_41 : vector<32x1xf32> to vector<32x256xf32>
      %sub3A_103 = vector.broadcast %slice3A : vector<1x256xf32> to vector<32x256xf32>
      %sub3A_104 = arith.subf %sub3A_102, %sub3A_103 : vector<32x256xf32>
      %sub3A_105 = vector.broadcast %slice3A_42 : vector<32x1xf32> to vector<32x256xf32>
      %sub3A_106 = vector.broadcast %slice3A_18 : vector<1x256xf32> to vector<32x256xf32>
      %sub3A_107 = arith.subf %sub3A_105, %sub3A_106 : vector<32x256xf32>
      %mul3A_108 = vector.broadcast %slice3A_43 : vector<32x1xf32> to vector<32x256xf32>
      %mul3A_109 = arith.mulf %mul3A_108, %sub3A_104 : vector<32x256xf32>
      %mul3A_110 = vector.broadcast %slice3A_44 : vector<32x1xf32> to vector<32x256xf32>
      %mul3A_111 = arith.mulf %mul3A_110, %sub3A_107 : vector<32x256xf32>
      %add3A_112 = arith.addf %mul3A_109, %mul3A_111 : vector<32x256xf32>
      %mul3A_113 = vector.broadcast %slice3A_19 : vector<1x256xf32> to vector<32x256xf32>
      %mul3A_114 = arith.mulf %mul3A_113, %sub3A_104 : vector<32x256xf32>
      %mul3A_115 = vector.broadcast %slice3A_20 : vector<1x256xf32> to vector<32x256xf32>
      %mul3A_116 = arith.mulf %mul3A_115, %sub3A_107 : vector<32x256xf32>
      %add3A_117 = arith.addf %mul3A_114, %mul3A_116 : vector<32x256xf32>
      %mul3A_118 = vector.broadcast %slice3A_45 : vector<32x1xf32> to vector<32x256xf32>
      %mul3A_119 = vector.broadcast %slice3A_21 : vector<1x256xf32> to vector<32x256xf32>
      %mul3A_120 = arith.mulf %mul3A_118, %mul3A_119 : vector<32x256xf32>
      %mul3A_121 = arith.mulf %add3A_101, %add3A_101 : vector<32x256xf32>
      %sub3A_122 = arith.subf %mul3A_120, %mul3A_121 : vector<32x256xf32>
      %max3A = arith.constant 9.99999996E-13 : f32
      %max3A_123 = vector.broadcast %max3A : f32 to vector<32x256xf32>
      %max3A_124 = arith.maximumf %sub3A_122, %max3A_123 : vector<32x256xf32>
      %div3A = arith.constant 1.000000e+00 : f32
      %div3A_125 = vector.broadcast %div3A : f32 to vector<32x256xf32>
      %div3A_126 = arith.divf %div3A_125, %max3A_124 : vector<32x256xf32>
      %mul3A_127 = arith.mulf %add3A_101, %add3A_117 : vector<32x256xf32>
      %mul3A_128 = vector.broadcast %slice3A_21 : vector<1x256xf32> to vector<32x256xf32>
      %mul3A_129 = arith.mulf %add3A_112, %mul3A_128 : vector<32x256xf32>
      %sub3A_130 = arith.subf %mul3A_127, %mul3A_129 : vector<32x256xf32>
      %mul3A_131 = arith.mulf %sub3A_130, %div3A_126 : vector<32x256xf32>
      %jit3A = arith.constant 0.000000e+00 : f32
      %jit3A_132 = arith.constant 1.000000e+00 : f32
      %max3A_133 = vector.broadcast %jit3A : f32 to vector<32x256xf32>
      %max3A_134 = arith.maximumf %max3A_133, %mul3A_131 : vector<32x256xf32>
      %min3A = vector.broadcast %jit3A_132 : f32 to vector<32x256xf32>
      %min3A_135 = arith.minimumf %min3A, %max3A_134 : vector<32x256xf32>
      %mul3A_136 = arith.mulf %add3A_101, %min3A_135 : vector<32x256xf32>
      %add3A_137 = arith.addf %mul3A_136, %add3A_117 : vector<32x256xf32>
      %mul3A_138 = vector.broadcast %slice3A_22 : vector<1x256xf32> to vector<32x256xf32>
      %mul3A_139 = arith.mulf %add3A_137, %mul3A_138 : vector<32x256xf32>
      %jit3A_140 = arith.constant 0.000000e+00 : f32
      %jit3A_141 = arith.constant 1.000000e+00 : f32
      %max3A_142 = vector.broadcast %jit3A_140 : f32 to vector<32x256xf32>
      %max3A_143 = arith.maximumf %max3A_142, %mul3A_139 : vector<32x256xf32>
      %min3A_144 = vector.broadcast %jit3A_141 : f32 to vector<32x256xf32>
      %min3A_145 = arith.minimumf %min3A_144, %max3A_143 : vector<32x256xf32>
      %mul3A_146 = arith.mulf %add3A_101, %min3A_145 : vector<32x256xf32>
      %sub3A_147 = arith.subf %mul3A_146, %add3A_112 : vector<32x256xf32>
      %mul3A_148 = vector.broadcast %slice3A_46 : vector<32x1xf32> to vector<32x256xf32>
      %mul3A_149 = arith.mulf %sub3A_147, %mul3A_148 : vector<32x256xf32>
      %jit3A_150 = arith.constant 0.000000e+00 : f32
      %jit3A_151 = arith.constant 1.000000e+00 : f32
      %max3A_152 = vector.broadcast %jit3A_150 : f32 to vector<32x256xf32>
      %max3A_153 = arith.maximumf %max3A_152, %mul3A_149 : vector<32x256xf32>
      %min3A_154 = vector.broadcast %jit3A_151 : f32 to vector<32x256xf32>
      %min3A_155 = arith.minimumf %min3A_154, %max3A_153 : vector<32x256xf32>
      %mul3A_156 = vector.broadcast %slice3A_43 : vector<32x1xf32> to vector<32x256xf32>
      %mul3A_157 = arith.mulf %min3A_155, %mul3A_156 : vector<32x256xf32>
      %add3A_158 = arith.addf %sub3A_104, %mul3A_157 : vector<32x256xf32>
      %mul3A_159 = vector.broadcast %slice3A_19 : vector<1x256xf32> to vector<32x256xf32>
      %mul3A_160 = arith.mulf %min3A_145, %mul3A_159 : vector<32x256xf32>
      %sub3A_161 = arith.subf %add3A_158, %mul3A_160 : vector<32x256xf32>
      %mul3A_162 = vector.broadcast %slice3A_44 : vector<32x1xf32> to vector<32x256xf32>
      %mul3A_163 = arith.mulf %min3A_155, %mul3A_162 : vector<32x256xf32>
      %add3A_164 = arith.addf %sub3A_107, %mul3A_163 : vector<32x256xf32>
      %mul3A_165 = vector.broadcast %slice3A_20 : vector<1x256xf32> to vector<32x256xf32>
      %mul3A_166 = arith.mulf %min3A_145, %mul3A_165 : vector<32x256xf32>
      %sub3A_167 = arith.subf %add3A_164, %mul3A_166 : vector<32x256xf32>
      %mul3A_168 = arith.mulf %sub3A_161, %sub3A_161 : vector<32x256xf32>
      %mul3A_169 = arith.mulf %sub3A_167, %sub3A_167 : vector<32x256xf32>
      %add3A_170 = arith.addf %mul3A_168, %mul3A_169 : vector<32x256xf32>
      %max3A_171 = arith.constant 1.000000e-24 : f32
      %max3A_172 = vector.broadcast %max3A_171 : f32 to vector<32x256xf32>
      %max3A_173 = arith.maximumf %add3A_170, %max3A_172 : vector<32x256xf32>
      %sqrt3A = math.sqrt %max3A_173 : vector<32x256xf32>
      %sub3A_174 = arith.constant 1.000000e-03 : f32
      %sub3A_175 = vector.broadcast %sub3A_174 : f32 to vector<32x256xf32>
      %sub3A_176 = arith.subf %sub3A_175, %sqrt3A : vector<32x256xf32>
      %max3A_177 = arith.constant 0.000000e+00 : f32
      %max3A_178 = vector.broadcast %max3A_177 : f32 to vector<32x256xf32>
      %max3A_179 = arith.maximumf %sub3A_176, %max3A_178 : vector<32x256xf32>
      %mul3A_180 = arith.mulf %max3A_179, %convert_element_type3A_94 : vector<32x256xf32>
      %add3A_181 = arith.addf %broadcast_in_dim3A_31, %mul3A_180 : vector<32x256xf32>
      %add3A_182 = arith.addf %broadcast_in_dim3A_33, %convert_element_type3A_94 : vector<32x256xf32>
      %mul3A_183 = arith.constant 256 : i32
      %mul3A_184 = arith.muli %arg0, %mul3A_183 : i32
      %add3A_185 = arith.constant 32 : i32
      %add3A_186 = arith.addi %mul3A_184, %add3A_185 : i32
      %get3A_187 = arith.index_cast %add3A_186 : i32 to index
      %get3A_188 = arith.constant 0 : index
      %get3A_189 = vector.load %arg2[%get3A_187, %get3A_188] : memref<2048x16xf32, #tpu.memory_space<vmem>>, vector<32x16xf32>
      %slice3A_190 = vector.extract_strided_slice %get3A_189 {offsets = [0, 0], sizes = [32, 1], strides = [1, 1]} : vector<32x16xf32> to vector<32x1xf32>
      %slice3A_191 = vector.extract_strided_slice %get3A_189 {offsets = [0, 1], sizes = [32, 1], strides = [1, 1]} : vector<32x16xf32> to vector<32x1xf32>
      %slice3A_192 = vector.extract_strided_slice %get3A_189 {offsets = [0, 2], sizes = [32, 1], strides = [1, 1]} : vector<32x16xf32> to vector<32x1xf32>
      %slice3A_193 = vector.extract_strided_slice %get3A_189 {offsets = [0, 3], sizes = [32, 1], strides = [1, 1]} : vector<32x16xf32> to vector<32x1xf32>
      %slice3A_194 = vector.extract_strided_slice %get3A_189 {offsets = [0, 4], sizes = [32, 1], strides = [1, 1]} : vector<32x16xf32> to vector<32x1xf32>
      %slice3A_195 = vector.extract_strided_slice %get3A_189 {offsets = [0, 5], sizes = [32, 1], strides = [1, 1]} : vector<32x16xf32> to vector<32x1xf32>
      %slice3A_196 = vector.extract_strided_slice %get3A_189 {offsets = [0, 6], sizes = [32, 1], strides = [1, 1]} : vector<32x16xf32> to vector<32x1xf32>
      %slice3A_197 = vector.extract_strided_slice %get3A_189 {offsets = [0, 7], sizes = [32, 1], strides = [1, 1]} : vector<32x16xf32> to vector<32x1xf32>
      %slice3A_198 = vector.extract_strided_slice %get3A_189 {offsets = [0, 8], sizes = [32, 1], strides = [1, 1]} : vector<32x16xf32> to vector<32x1xf32>
      %slice3A_199 = vector.extract_strided_slice %get3A_189 {offsets = [0, 9], sizes = [32, 1], strides = [1, 1]} : vector<32x16xf32> to vector<32x1xf32>
      %slice3A_200 = vector.extract_strided_slice %get3A_189 {offsets = [0, 10], sizes = [32, 1], strides = [1, 1]} : vector<32x16xf32> to vector<32x1xf32>
      %eq3A_201 = vector.broadcast %slice3A_199 : vector<32x1xf32> to vector<32x256xf32>
      %eq3A_202 = vector.broadcast %slice3A_26 : vector<1x256xf32> to vector<32x256xf32>
      %eq3A_203 = arith.cmpf oeq, %eq3A_201, %eq3A_202 : vector<32x256xf32>
      %eq3A_204 = vector.broadcast %slice3A_199 : vector<32x1xf32> to vector<32x256xf32>
      %eq3A_205 = vector.broadcast %slice3A_27 : vector<1x256xf32> to vector<32x256xf32>
      %eq3A_206 = arith.cmpf oeq, %eq3A_204, %eq3A_205 : vector<32x256xf32>
      %or3A_207 = arith.ori %eq3A_203, %eq3A_206 : vector<32x256xi1>
      %eq3A_208 = vector.broadcast %slice3A_200 : vector<32x1xf32> to vector<32x256xf32>
      %eq3A_209 = vector.broadcast %slice3A_26 : vector<1x256xf32> to vector<32x256xf32>
      %eq3A_210 = arith.cmpf oeq, %eq3A_208, %eq3A_209 : vector<32x256xf32>
      %or3A_211 = arith.ori %or3A_207, %eq3A_210 : vector<32x256xi1>
      %eq3A_212 = vector.broadcast %slice3A_200 : vector<32x1xf32> to vector<32x256xf32>
      %eq3A_213 = vector.broadcast %slice3A_27 : vector<1x256xf32> to vector<32x256xf32>
      %eq3A_214 = arith.cmpf oeq, %eq3A_212, %eq3A_213 : vector<32x256xf32>
      %or3A_215 = arith.ori %or3A_211, %eq3A_214 : vector<32x256xi1>
      %mul3A_216 = arith.constant 256 : i32
      %mul3A_217 = arith.muli %arg0, %mul3A_216 : i32
      %add3A_218 = arith.constant 32 : i32
      %add3A_219 = arith.addi %mul3A_217, %add3A_218 : i32
      %iota3A_220 = tpu.iota {dimensions = array<i32: 0>} : vector<32x1xi32>
      %add3A_221 = vector.broadcast %add3A_219 : i32 to vector<32x1xi32>
      %add3A_222 = arith.addi %add3A_221, %iota3A_220 : vector<32x1xi32>
      %gt3A_223 = vector.broadcast %add3A_30 : vector<1x256xi32> to vector<32x256xi32>
      %gt3A_224 = vector.broadcast %add3A_222 : vector<32x1xi32> to vector<32x256xi32>
      %gt3A_225 = arith.cmpi sgt, %gt3A_223, %gt3A_224 : vector<32x256xi32>
      %sub3A_226 = vector.broadcast %slice3A_196 : vector<32x1xf32> to vector<32x256xf32>
      %sub3A_227 = vector.broadcast %slice3A_23 : vector<1x256xf32> to vector<32x256xf32>
      %sub3A_228 = arith.subf %sub3A_226, %sub3A_227 : vector<32x256xf32>
      %sub3A_229 = vector.broadcast %slice3A_197 : vector<32x1xf32> to vector<32x256xf32>
      %sub3A_230 = vector.broadcast %slice3A_24 : vector<1x256xf32> to vector<32x256xf32>
      %sub3A_231 = arith.subf %sub3A_229, %sub3A_230 : vector<32x256xf32>
      %mul3A_232 = arith.mulf %sub3A_228, %sub3A_228 : vector<32x256xf32>
      %mul3A_233 = arith.mulf %sub3A_231, %sub3A_231 : vector<32x256xf32>
      %add3A_234 = arith.addf %mul3A_232, %mul3A_233 : vector<32x256xf32>
      %add3A_235 = vector.broadcast %slice3A_198 : vector<32x1xf32> to vector<32x256xf32>
      %add3A_236 = vector.broadcast %slice3A_25 : vector<1x256xf32> to vector<32x256xf32>
      %add3A_237 = arith.addf %add3A_235, %add3A_236 : vector<32x256xf32>
      %add3A_238 = arith.constant 1.500000e-01 : f32
      %add3A_239 = vector.broadcast %add3A_238 : f32 to vector<32x256xf32>
      %add3A_240 = arith.addf %add3A_237, %add3A_239 : vector<32x256xf32>
      %not3A_241 = arith.constant dense<true> : vector<32x256xi1>
      %not3A_242 = arith.xori %or3A_215, %not3A_241 : vector<32x256xi1>
      %and3A_243 = arith.andi %not3A_242, %gt3A_225 : vector<32x256xi1>
      %mul3A_244 = arith.mulf %add3A_240, %add3A_240 : vector<32x256xf32>
      %lt3A_245 = arith.cmpf olt, %add3A_234, %mul3A_244 : vector<32x256xf32>
      %and3A_246 = arith.andi %and3A_243, %lt3A_245 : vector<32x256xi1>
      %convert_element_type3A_247 = arith.extui %and3A_246 : vector<32x256xi1> to vector<32x256xi32>
      %convert_element_type3A_248 = arith.sitofp %convert_element_type3A_247 : vector<32x256xi32> to vector<32x256xf32>
      %mul3A_249 = vector.broadcast %slice3A_192 : vector<32x1xf32> to vector<32x256xf32>
      %mul3A_250 = vector.broadcast %slice3A_19 : vector<1x256xf32> to vector<32x256xf32>
      %mul3A_251 = arith.mulf %mul3A_249, %mul3A_250 : vector<32x256xf32>
      %mul3A_252 = vector.broadcast %slice3A_193 : vector<32x1xf32> to vector<32x256xf32>
      %mul3A_253 = vector.broadcast %slice3A_20 : vector<1x256xf32> to vector<32x256xf32>
      %mul3A_254 = arith.mulf %mul3A_252, %mul3A_253 : vector<32x256xf32>
      %add3A_255 = arith.addf %mul3A_251, %mul3A_254 : vector<32x256xf32>
      %sub3A_256 = vector.broadcast %slice3A_190 : vector<32x1xf32> to vector<32x256xf32>
      %sub3A_257 = vector.broadcast %slice3A : vector<1x256xf32> to vector<32x256xf32>
      %sub3A_258 = arith.subf %sub3A_256, %sub3A_257 : vector<32x256xf32>
      %sub3A_259 = vector.broadcast %slice3A_191 : vector<32x1xf32> to vector<32x256xf32>
      %sub3A_260 = vector.broadcast %slice3A_18 : vector<1x256xf32> to vector<32x256xf32>
      %sub3A_261 = arith.subf %sub3A_259, %sub3A_260 : vector<32x256xf32>
      %mul3A_262 = vector.broadcast %slice3A_192 : vector<32x1xf32> to vector<32x256xf32>
      %mul3A_263 = arith.mulf %mul3A_262, %sub3A_258 : vector<32x256xf32>
      %mul3A_264 = vector.broadcast %slice3A_193 : vector<32x1xf32> to vector<32x256xf32>
      %mul3A_265 = arith.mulf %mul3A_264, %sub3A_261 : vector<32x256xf32>
      %add3A_266 = arith.addf %mul3A_263, %mul3A_265 : vector<32x256xf32>
      %mul3A_267 = vector.broadcast %slice3A_19 : vector<1x256xf32> to vector<32x256xf32>
      %mul3A_268 = arith.mulf %mul3A_267, %sub3A_258 : vector<32x256xf32>
      %mul3A_269 = vector.broadcast %slice3A_20 : vector<1x256xf32> to vector<32x256xf32>
      %mul3A_270 = arith.mulf %mul3A_269, %sub3A_261 : vector<32x256xf32>
      %add3A_271 = arith.addf %mul3A_268, %mul3A_270 : vector<32x256xf32>
      %mul3A_272 = vector.broadcast %slice3A_194 : vector<32x1xf32> to vector<32x256xf32>
      %mul3A_273 = vector.broadcast %slice3A_21 : vector<1x256xf32> to vector<32x256xf32>
      %mul3A_274 = arith.mulf %mul3A_272, %mul3A_273 : vector<32x256xf32>
      %mul3A_275 = arith.mulf %add3A_255, %add3A_255 : vector<32x256xf32>
      %sub3A_276 = arith.subf %mul3A_274, %mul3A_275 : vector<32x256xf32>
      %max3A_277 = arith.constant 9.99999996E-13 : f32
      %max3A_278 = vector.broadcast %max3A_277 : f32 to vector<32x256xf32>
      %max3A_279 = arith.maximumf %sub3A_276, %max3A_278 : vector<32x256xf32>
      %div3A_280 = arith.constant 1.000000e+00 : f32
      %div3A_281 = vector.broadcast %div3A_280 : f32 to vector<32x256xf32>
      %div3A_282 = arith.divf %div3A_281, %max3A_279 : vector<32x256xf32>
      %mul3A_283 = arith.mulf %add3A_255, %add3A_271 : vector<32x256xf32>
      %mul3A_284 = vector.broadcast %slice3A_21 : vector<1x256xf32> to vector<32x256xf32>
      %mul3A_285 = arith.mulf %add3A_266, %mul3A_284 : vector<32x256xf32>
      %sub3A_286 = arith.subf %mul3A_283, %mul3A_285 : vector<32x256xf32>
      %mul3A_287 = arith.mulf %sub3A_286, %div3A_282 : vector<32x256xf32>
      %jit3A_288 = arith.constant 0.000000e+00 : f32
      %jit3A_289 = arith.constant 1.000000e+00 : f32
      %max3A_290 = vector.broadcast %jit3A_288 : f32 to vector<32x256xf32>
      %max3A_291 = arith.maximumf %max3A_290, %mul3A_287 : vector<32x256xf32>
      %min3A_292 = vector.broadcast %jit3A_289 : f32 to vector<32x256xf32>
      %min3A_293 = arith.minimumf %min3A_292, %max3A_291 : vector<32x256xf32>
      %mul3A_294 = arith.mulf %add3A_255, %min3A_293 : vector<32x256xf32>
      %add3A_295 = arith.addf %mul3A_294, %add3A_271 : vector<32x256xf32>
      %mul3A_296 = vector.broadcast %slice3A_22 : vector<1x256xf32> to vector<32x256xf32>
      %mul3A_297 = arith.mulf %add3A_295, %mul3A_296 : vector<32x256xf32>
      %jit3A_298 = arith.constant 0.000000e+00 : f32
      %jit3A_299 = arith.constant 1.000000e+00 : f32
      %max3A_300 = vector.broadcast %jit3A_298 : f32 to vector<32x256xf32>
      %max3A_301 = arith.maximumf %max3A_300, %mul3A_297 : vector<32x256xf32>
      %min3A_302 = vector.broadcast %jit3A_299 : f32 to vector<32x256xf32>
      %min3A_303 = arith.minimumf %min3A_302, %max3A_301 : vector<32x256xf32>
      %mul3A_304 = arith.mulf %add3A_255, %min3A_303 : vector<32x256xf32>
      %sub3A_305 = arith.subf %mul3A_304, %add3A_266 : vector<32x256xf32>
      %mul3A_306 = vector.broadcast %slice3A_195 : vector<32x1xf32> to vector<32x256xf32>
      %mul3A_307 = arith.mulf %sub3A_305, %mul3A_306 : vector<32x256xf32>
      %jit3A_308 = arith.constant 0.000000e+00 : f32
      %jit3A_309 = arith.constant 1.000000e+00 : f32
      %max3A_310 = vector.broadcast %jit3A_308 : f32 to vector<32x256xf32>
      %max3A_311 = arith.maximumf %max3A_310, %mul3A_307 : vector<32x256xf32>
      %min3A_312 = vector.broadcast %jit3A_309 : f32 to vector<32x256xf32>
      %min3A_313 = arith.minimumf %min3A_312, %max3A_311 : vector<32x256xf32>
      %mul3A_314 = vector.broadcast %slice3A_192 : vector<32x1xf32> to vector<32x256xf32>
      %mul3A_315 = arith.mulf %min3A_313, %mul3A_314 : vector<32x256xf32>
      %add3A_316 = arith.addf %sub3A_258, %mul3A_315 : vector<32x256xf32>
      %mul3A_317 = vector.broadcast %slice3A_19 : vector<1x256xf32> to vector<32x256xf32>
      %mul3A_318 = arith.mulf %min3A_303, %mul3A_317 : vector<32x256xf32>
      %sub3A_319 = arith.subf %add3A_316, %mul3A_318 : vector<32x256xf32>
      %mul3A_320 = vector.broadcast %slice3A_193 : vector<32x1xf32> to vector<32x256xf32>
      %mul3A_321 = arith.mulf %min3A_313, %mul3A_320 : vector<32x256xf32>
      %add3A_322 = arith.addf %sub3A_261, %mul3A_321 : vector<32x256xf32>
      %mul3A_323 = vector.broadcast %slice3A_20 : vector<1x256xf32> to vector<32x256xf32>
      %mul3A_324 = arith.mulf %min3A_303, %mul3A_323 : vector<32x256xf32>
      %sub3A_325 = arith.subf %add3A_322, %mul3A_324 : vector<32x256xf32>
      %mul3A_326 = arith.mulf %sub3A_319, %sub3A_319 : vector<32x256xf32>
      %mul3A_327 = arith.mulf %sub3A_325, %sub3A_325 : vector<32x256xf32>
      %add3A_328 = arith.addf %mul3A_326, %mul3A_327 : vector<32x256xf32>
      %max3A_329 = arith.constant 1.000000e-24 : f32
      %max3A_330 = vector.broadcast %max3A_329 : f32 to vector<32x256xf32>
      %max3A_331 = arith.maximumf %add3A_328, %max3A_330 : vector<32x256xf32>
      %sqrt3A_332 = math.sqrt %max3A_331 : vector<32x256xf32>
      %sub3A_333 = arith.constant 1.000000e-03 : f32
      %sub3A_334 = vector.broadcast %sub3A_333 : f32 to vector<32x256xf32>
      %sub3A_335 = arith.subf %sub3A_334, %sqrt3A_332 : vector<32x256xf32>
      %max3A_336 = arith.constant 0.000000e+00 : f32
      %max3A_337 = vector.broadcast %max3A_336 : f32 to vector<32x256xf32>
      %max3A_338 = arith.maximumf %sub3A_335, %max3A_337 : vector<32x256xf32>
      %mul3A_339 = arith.mulf %max3A_338, %convert_element_type3A_248 : vector<32x256xf32>
      %add3A_340 = arith.addf %add3A_181, %mul3A_339 : vector<32x256xf32>
      %add3A_341 = arith.addf %add3A_182, %convert_element_type3A_248 : vector<32x256xf32>
      %mul3A_342 = arith.constant 256 : i32
      %mul3A_343 = arith.muli %arg0, %mul3A_342 : i32
      %add3A_344 = arith.constant 64 : i32
      %add3A_345 = arith.addi %mul3A_343, %add3A_344 : i32
      %get3A_346 = arith.index_cast %add3A_345 : i32 to index
      %get3A_347 = arith.constant 0 : index
      %get3A_348 = vector.load %arg2[%get3A_346, %get3A_347] : memref<2048x16xf32, #tpu.memory_space<vmem>>, vector<32x16xf32>
      %slice3A_349 = vector.extract_strided_slice %get3A_348 {offsets = [0, 0], sizes = [32, 1], strides = [1, 1]} : vector<32x16xf32> to vector<32x1xf32>
      %slice3A_350 = vector.extract_strided_slice %get3A_348 {offsets = [0, 1], sizes = [32, 1], strides = [1, 1]} : vector<32x16xf32> to vector<32x1xf32>
      %slice3A_351 = vector.extract_strided_slice %get3A_348 {offsets = [0, 2], sizes = [32, 1], strides = [1, 1]} : vector<32x16xf32> to vector<32x1xf32>
      %slice3A_352 = vector.extract_strided_slice %get3A_348 {offsets = [0, 3], sizes = [32, 1], strides = [1, 1]} : vector<32x16xf32> to vector<32x1xf32>
      %slice3A_353 = vector.extract_strided_slice %get3A_348 {offsets = [0, 4], sizes = [32, 1], strides = [1, 1]} : vector<32x16xf32> to vector<32x1xf32>
      %slice3A_354 = vector.extract_strided_slice %get3A_348 {offsets = [0, 5], sizes = [32, 1], strides = [1, 1]} : vector<32x16xf32> to vector<32x1xf32>
      %slice3A_355 = vector.extract_strided_slice %get3A_348 {offsets = [0, 6], sizes = [32, 1], strides = [1, 1]} : vector<32x16xf32> to vector<32x1xf32>
      %slice3A_356 = vector.extract_strided_slice %get3A_348 {offsets = [0, 7], sizes = [32, 1], strides = [1, 1]} : vector<32x16xf32> to vector<32x1xf32>
      %slice3A_357 = vector.extract_strided_slice %get3A_348 {offsets = [0, 8], sizes = [32, 1], strides = [1, 1]} : vector<32x16xf32> to vector<32x1xf32>
      %slice3A_358 = vector.extract_strided_slice %get3A_348 {offsets = [0, 9], sizes = [32, 1], strides = [1, 1]} : vector<32x16xf32> to vector<32x1xf32>
      %slice3A_359 = vector.extract_strided_slice %get3A_348 {offsets = [0, 10], sizes = [32, 1], strides = [1, 1]} : vector<32x16xf32> to vector<32x1xf32>
      %eq3A_360 = vector.broadcast %slice3A_358 : vector<32x1xf32> to vector<32x256xf32>
      %eq3A_361 = vector.broadcast %slice3A_26 : vector<1x256xf32> to vector<32x256xf32>
      %eq3A_362 = arith.cmpf oeq, %eq3A_360, %eq3A_361 : vector<32x256xf32>
      %eq3A_363 = vector.broadcast %slice3A_358 : vector<32x1xf32> to vector<32x256xf32>
      %eq3A_364 = vector.broadcast %slice3A_27 : vector<1x256xf32> to vector<32x256xf32>
      %eq3A_365 = arith.cmpf oeq, %eq3A_363, %eq3A_364 : vector<32x256xf32>
      %or3A_366 = arith.ori %eq3A_362, %eq3A_365 : vector<32x256xi1>
      %eq3A_367 = vector.broadcast %slice3A_359 : vector<32x1xf32> to vector<32x256xf32>
      %eq3A_368 = vector.broadcast %slice3A_26 : vector<1x256xf32> to vector<32x256xf32>
      %eq3A_369 = arith.cmpf oeq, %eq3A_367, %eq3A_368 : vector<32x256xf32>
      %or3A_370 = arith.ori %or3A_366, %eq3A_369 : vector<32x256xi1>
      %eq3A_371 = vector.broadcast %slice3A_359 : vector<32x1xf32> to vector<32x256xf32>
      %eq3A_372 = vector.broadcast %slice3A_27 : vector<1x256xf32> to vector<32x256xf32>
      %eq3A_373 = arith.cmpf oeq, %eq3A_371, %eq3A_372 : vector<32x256xf32>
      %or3A_374 = arith.ori %or3A_370, %eq3A_373 : vector<32x256xi1>
      %mul3A_375 = arith.constant 256 : i32
      %mul3A_376 = arith.muli %arg0, %mul3A_375 : i32
      %add3A_377 = arith.constant 64 : i32
      %add3A_378 = arith.addi %mul3A_376, %add3A_377 : i32
      %iota3A_379 = tpu.iota {dimensions = array<i32: 0>} : vector<32x1xi32>
      %add3A_380 = vector.broadcast %add3A_378 : i32 to vector<32x1xi32>
      %add3A_381 = arith.addi %add3A_380, %iota3A_379 : vector<32x1xi32>
      %gt3A_382 = vector.broadcast %add3A_30 : vector<1x256xi32> to vector<32x256xi32>
      %gt3A_383 = vector.broadcast %add3A_381 : vector<32x1xi32> to vector<32x256xi32>
      %gt3A_384 = arith.cmpi sgt, %gt3A_382, %gt3A_383 : vector<32x256xi32>
      %sub3A_385 = vector.broadcast %slice3A_355 : vector<32x1xf32> to vector<32x256xf32>
      %sub3A_386 = vector.broadcast %slice3A_23 : vector<1x256xf32> to vector<32x256xf32>
      %sub3A_387 = arith.subf %sub3A_385, %sub3A_386 : vector<32x256xf32>
      %sub3A_388 = vector.broadcast %slice3A_356 : vector<32x1xf32> to vector<32x256xf32>
      %sub3A_389 = vector.broadcast %slice3A_24 : vector<1x256xf32> to vector<32x256xf32>
      %sub3A_390 = arith.subf %sub3A_388, %sub3A_389 : vector<32x256xf32>
      %mul3A_391 = arith.mulf %sub3A_387, %sub3A_387 : vector<32x256xf32>
      %mul3A_392 = arith.mulf %sub3A_390, %sub3A_390 : vector<32x256xf32>
      %add3A_393 = arith.addf %mul3A_391, %mul3A_392 : vector<32x256xf32>
      %add3A_394 = vector.broadcast %slice3A_357 : vector<32x1xf32> to vector<32x256xf32>
      %add3A_395 = vector.broadcast %slice3A_25 : vector<1x256xf32> to vector<32x256xf32>
      %add3A_396 = arith.addf %add3A_394, %add3A_395 : vector<32x256xf32>
      %add3A_397 = arith.constant 1.500000e-01 : f32
      %add3A_398 = vector.broadcast %add3A_397 : f32 to vector<32x256xf32>
      %add3A_399 = arith.addf %add3A_396, %add3A_398 : vector<32x256xf32>
      %not3A_400 = arith.constant dense<true> : vector<32x256xi1>
      %not3A_401 = arith.xori %or3A_374, %not3A_400 : vector<32x256xi1>
      %and3A_402 = arith.andi %not3A_401, %gt3A_384 : vector<32x256xi1>
      %mul3A_403 = arith.mulf %add3A_399, %add3A_399 : vector<32x256xf32>
      %lt3A_404 = arith.cmpf olt, %add3A_393, %mul3A_403 : vector<32x256xf32>
      %and3A_405 = arith.andi %and3A_402, %lt3A_404 : vector<32x256xi1>
      %convert_element_type3A_406 = arith.extui %and3A_405 : vector<32x256xi1> to vector<32x256xi32>
      %convert_element_type3A_407 = arith.sitofp %convert_element_type3A_406 : vector<32x256xi32> to vector<32x256xf32>
      %mul3A_408 = vector.broadcast %slice3A_351 : vector<32x1xf32> to vector<32x256xf32>
      %mul3A_409 = vector.broadcast %slice3A_19 : vector<1x256xf32> to vector<32x256xf32>
      %mul3A_410 = arith.mulf %mul3A_408, %mul3A_409 : vector<32x256xf32>
      %mul3A_411 = vector.broadcast %slice3A_352 : vector<32x1xf32> to vector<32x256xf32>
      %mul3A_412 = vector.broadcast %slice3A_20 : vector<1x256xf32> to vector<32x256xf32>
      %mul3A_413 = arith.mulf %mul3A_411, %mul3A_412 : vector<32x256xf32>
      %add3A_414 = arith.addf %mul3A_410, %mul3A_413 : vector<32x256xf32>
      %sub3A_415 = vector.broadcast %slice3A_349 : vector<32x1xf32> to vector<32x256xf32>
      %sub3A_416 = vector.broadcast %slice3A : vector<1x256xf32> to vector<32x256xf32>
      %sub3A_417 = arith.subf %sub3A_415, %sub3A_416 : vector<32x256xf32>
      %sub3A_418 = vector.broadcast %slice3A_350 : vector<32x1xf32> to vector<32x256xf32>
      %sub3A_419 = vector.broadcast %slice3A_18 : vector<1x256xf32> to vector<32x256xf32>
      %sub3A_420 = arith.subf %sub3A_418, %sub3A_419 : vector<32x256xf32>
      %mul3A_421 = vector.broadcast %slice3A_351 : vector<32x1xf32> to vector<32x256xf32>
      %mul3A_422 = arith.mulf %mul3A_421, %sub3A_417 : vector<32x256xf32>
      %mul3A_423 = vector.broadcast %slice3A_352 : vector<32x1xf32> to vector<32x256xf32>
      %mul3A_424 = arith.mulf %mul3A_423, %sub3A_420 : vector<32x256xf32>
      %add3A_425 = arith.addf %mul3A_422, %mul3A_424 : vector<32x256xf32>
      %mul3A_426 = vector.broadcast %slice3A_19 : vector<1x256xf32> to vector<32x256xf32>
      %mul3A_427 = arith.mulf %mul3A_426, %sub3A_417 : vector<32x256xf32>
      %mul3A_428 = vector.broadcast %slice3A_20 : vector<1x256xf32> to vector<32x256xf32>
      %mul3A_429 = arith.mulf %mul3A_428, %sub3A_420 : vector<32x256xf32>
      %add3A_430 = arith.addf %mul3A_427, %mul3A_429 : vector<32x256xf32>
      %mul3A_431 = vector.broadcast %slice3A_353 : vector<32x1xf32> to vector<32x256xf32>
      %mul3A_432 = vector.broadcast %slice3A_21 : vector<1x256xf32> to vector<32x256xf32>
      %mul3A_433 = arith.mulf %mul3A_431, %mul3A_432 : vector<32x256xf32>
      %mul3A_434 = arith.mulf %add3A_414, %add3A_414 : vector<32x256xf32>
      %sub3A_435 = arith.subf %mul3A_433, %mul3A_434 : vector<32x256xf32>
      %max3A_436 = arith.constant 9.99999996E-13 : f32
      %max3A_437 = vector.broadcast %max3A_436 : f32 to vector<32x256xf32>
      %max3A_438 = arith.maximumf %sub3A_435, %max3A_437 : vector<32x256xf32>
      %div3A_439 = arith.constant 1.000000e+00 : f32
      %div3A_440 = vector.broadcast %div3A_439 : f32 to vector<32x256xf32>
      %div3A_441 = arith.divf %div3A_440, %max3A_438 : vector<32x256xf32>
      %mul3A_442 = arith.mulf %add3A_414, %add3A_430 : vector<32x256xf32>
      %mul3A_443 = vector.broadcast %slice3A_21 : vector<1x256xf32> to vector<32x256xf32>
      %mul3A_444 = arith.mulf %add3A_425, %mul3A_443 : vector<32x256xf32>
      %sub3A_445 = arith.subf %mul3A_442, %mul3A_444 : vector<32x256xf32>
      %mul3A_446 = arith.mulf %sub3A_445, %div3A_441 : vector<32x256xf32>
      %jit3A_447 = arith.constant 0.000000e+00 : f32
      %jit3A_448 = arith.constant 1.000000e+00 : f32
      %max3A_449 = vector.broadcast %jit3A_447 : f32 to vector<32x256xf32>
      %max3A_450 = arith.maximumf %max3A_449, %mul3A_446 : vector<32x256xf32>
      %min3A_451 = vector.broadcast %jit3A_448 : f32 to vector<32x256xf32>
      %min3A_452 = arith.minimumf %min3A_451, %max3A_450 : vector<32x256xf32>
      %mul3A_453 = arith.mulf %add3A_414, %min3A_452 : vector<32x256xf32>
      %add3A_454 = arith.addf %mul3A_453, %add3A_430 : vector<32x256xf32>
      %mul3A_455 = vector.broadcast %slice3A_22 : vector<1x256xf32> to vector<32x256xf32>
      %mul3A_456 = arith.mulf %add3A_454, %mul3A_455 : vector<32x256xf32>
      %jit3A_457 = arith.constant 0.000000e+00 : f32
      %jit3A_458 = arith.constant 1.000000e+00 : f32
      %max3A_459 = vector.broadcast %jit3A_457 : f32 to vector<32x256xf32>
      %max3A_460 = arith.maximumf %max3A_459, %mul3A_456 : vector<32x256xf32>
      %min3A_461 = vector.broadcast %jit3A_458 : f32 to vector<32x256xf32>
      %min3A_462 = arith.minimumf %min3A_461, %max3A_460 : vector<32x256xf32>
      %mul3A_463 = arith.mulf %add3A_414, %min3A_462 : vector<32x256xf32>
      %sub3A_464 = arith.subf %mul3A_463, %add3A_425 : vector<32x256xf32>
      %mul3A_465 = vector.broadcast %slice3A_354 : vector<32x1xf32> to vector<32x256xf32>
      %mul3A_466 = arith.mulf %sub3A_464, %mul3A_465 : vector<32x256xf32>
      %jit3A_467 = arith.constant 0.000000e+00 : f32
      %jit3A_468 = arith.constant 1.000000e+00 : f32
      %max3A_469 = vector.broadcast %jit3A_467 : f32 to vector<32x256xf32>
      %max3A_470 = arith.maximumf %max3A_469, %mul3A_466 : vector<32x256xf32>
      %min3A_471 = vector.broadcast %jit3A_468 : f32 to vector<32x256xf32>
      %min3A_472 = arith.minimumf %min3A_471, %max3A_470 : vector<32x256xf32>
      %mul3A_473 = vector.broadcast %slice3A_351 : vector<32x1xf32> to vector<32x256xf32>
      %mul3A_474 = arith.mulf %min3A_472, %mul3A_473 : vector<32x256xf32>
      %add3A_475 = arith.addf %sub3A_417, %mul3A_474 : vector<32x256xf32>
      %mul3A_476 = vector.broadcast %slice3A_19 : vector<1x256xf32> to vector<32x256xf32>
      %mul3A_477 = arith.mulf %min3A_462, %mul3A_476 : vector<32x256xf32>
      %sub3A_478 = arith.subf %add3A_475, %mul3A_477 : vector<32x256xf32>
      %mul3A_479 = vector.broadcast %slice3A_352 : vector<32x1xf32> to vector<32x256xf32>
      %mul3A_480 = arith.mulf %min3A_472, %mul3A_479 : vector<32x256xf32>
      %add3A_481 = arith.addf %sub3A_420, %mul3A_480 : vector<32x256xf32>
      %mul3A_482 = vector.broadcast %slice3A_20 : vector<1x256xf32> to vector<32x256xf32>
      %mul3A_483 = arith.mulf %min3A_462, %mul3A_482 : vector<32x256xf32>
      %sub3A_484 = arith.subf %add3A_481, %mul3A_483 : vector<32x256xf32>
      %mul3A_485 = arith.mulf %sub3A_478, %sub3A_478 : vector<32x256xf32>
      %mul3A_486 = arith.mulf %sub3A_484, %sub3A_484 : vector<32x256xf32>
      %add3A_487 = arith.addf %mul3A_485, %mul3A_486 : vector<32x256xf32>
      %max3A_488 = arith.constant 1.000000e-24 : f32
      %max3A_489 = vector.broadcast %max3A_488 : f32 to vector<32x256xf32>
      %max3A_490 = arith.maximumf %add3A_487, %max3A_489 : vector<32x256xf32>
      %sqrt3A_491 = math.sqrt %max3A_490 : vector<32x256xf32>
      %sub3A_492 = arith.constant 1.000000e-03 : f32
      %sub3A_493 = vector.broadcast %sub3A_492 : f32 to vector<32x256xf32>
      %sub3A_494 = arith.subf %sub3A_493, %sqrt3A_491 : vector<32x256xf32>
      %max3A_495 = arith.constant 0.000000e+00 : f32
      %max3A_496 = vector.broadcast %max3A_495 : f32 to vector<32x256xf32>
      %max3A_497 = arith.maximumf %sub3A_494, %max3A_496 : vector<32x256xf32>
      %mul3A_498 = arith.mulf %max3A_497, %convert_element_type3A_407 : vector<32x256xf32>
      %add3A_499 = arith.addf %add3A_340, %mul3A_498 : vector<32x256xf32>
      %add3A_500 = arith.addf %add3A_341, %convert_element_type3A_407 : vector<32x256xf32>
      %mul3A_501 = arith.constant 256 : i32
      %mul3A_502 = arith.muli %arg0, %mul3A_501 : i32
      %add3A_503 = arith.constant 96 : i32
      %add3A_504 = arith.addi %mul3A_502, %add3A_503 : i32
      %get3A_505 = arith.index_cast %add3A_504 : i32 to index
      %get3A_506 = arith.constant 0 : index
      %get3A_507 = vector.load %arg2[%get3A_505, %get3A_506] : memref<2048x16xf32, #tpu.memory_space<vmem>>, vector<32x16xf32>
      %slice3A_508 = vector.extract_strided_slice %get3A_507 {offsets = [0, 0], sizes = [32, 1], strides = [1, 1]} : vector<32x16xf32> to vector<32x1xf32>
      %slice3A_509 = vector.extract_strided_slice %get3A_507 {offsets = [0, 1], sizes = [32, 1], strides = [1, 1]} : vector<32x16xf32> to vector<32x1xf32>
      %slice3A_510 = vector.extract_strided_slice %get3A_507 {offsets = [0, 2], sizes = [32, 1], strides = [1, 1]} : vector<32x16xf32> to vector<32x1xf32>
      %slice3A_511 = vector.extract_strided_slice %get3A_507 {offsets = [0, 3], sizes = [32, 1], strides = [1, 1]} : vector<32x16xf32> to vector<32x1xf32>
      %slice3A_512 = vector.extract_strided_slice %get3A_507 {offsets = [0, 4], sizes = [32, 1], strides = [1, 1]} : vector<32x16xf32> to vector<32x1xf32>
      %slice3A_513 = vector.extract_strided_slice %get3A_507 {offsets = [0, 5], sizes = [32, 1], strides = [1, 1]} : vector<32x16xf32> to vector<32x1xf32>
      %slice3A_514 = vector.extract_strided_slice %get3A_507 {offsets = [0, 6], sizes = [32, 1], strides = [1, 1]} : vector<32x16xf32> to vector<32x1xf32>
      %slice3A_515 = vector.extract_strided_slice %get3A_507 {offsets = [0, 7], sizes = [32, 1], strides = [1, 1]} : vector<32x16xf32> to vector<32x1xf32>
      %slice3A_516 = vector.extract_strided_slice %get3A_507 {offsets = [0, 8], sizes = [32, 1], strides = [1, 1]} : vector<32x16xf32> to vector<32x1xf32>
      %slice3A_517 = vector.extract_strided_slice %get3A_507 {offsets = [0, 9], sizes = [32, 1], strides = [1, 1]} : vector<32x16xf32> to vector<32x1xf32>
      %slice3A_518 = vector.extract_strided_slice %get3A_507 {offsets = [0, 10], sizes = [32, 1], strides = [1, 1]} : vector<32x16xf32> to vector<32x1xf32>
      %eq3A_519 = vector.broadcast %slice3A_517 : vector<32x1xf32> to vector<32x256xf32>
      %eq3A_520 = vector.broadcast %slice3A_26 : vector<1x256xf32> to vector<32x256xf32>
      %eq3A_521 = arith.cmpf oeq, %eq3A_519, %eq3A_520 : vector<32x256xf32>
      %eq3A_522 = vector.broadcast %slice3A_517 : vector<32x1xf32> to vector<32x256xf32>
      %eq3A_523 = vector.broadcast %slice3A_27 : vector<1x256xf32> to vector<32x256xf32>
      %eq3A_524 = arith.cmpf oeq, %eq3A_522, %eq3A_523 : vector<32x256xf32>
      %or3A_525 = arith.ori %eq3A_521, %eq3A_524 : vector<32x256xi1>
      %eq3A_526 = vector.broadcast %slice3A_518 : vector<32x1xf32> to vector<32x256xf32>
      %eq3A_527 = vector.broadcast %slice3A_26 : vector<1x256xf32> to vector<32x256xf32>
      %eq3A_528 = arith.cmpf oeq, %eq3A_526, %eq3A_527 : vector<32x256xf32>
      %or3A_529 = arith.ori %or3A_525, %eq3A_528 : vector<32x256xi1>
      %eq3A_530 = vector.broadcast %slice3A_518 : vector<32x1xf32> to vector<32x256xf32>
      %eq3A_531 = vector.broadcast %slice3A_27 : vector<1x256xf32> to vector<32x256xf32>
      %eq3A_532 = arith.cmpf oeq, %eq3A_530, %eq3A_531 : vector<32x256xf32>
      %or3A_533 = arith.ori %or3A_529, %eq3A_532 : vector<32x256xi1>
      %mul3A_534 = arith.constant 256 : i32
      %mul3A_535 = arith.muli %arg0, %mul3A_534 : i32
      %add3A_536 = arith.constant 96 : i32
      %add3A_537 = arith.addi %mul3A_535, %add3A_536 : i32
      %iota3A_538 = tpu.iota {dimensions = array<i32: 0>} : vector<32x1xi32>
      %add3A_539 = vector.broadcast %add3A_537 : i32 to vector<32x1xi32>
      %add3A_540 = arith.addi %add3A_539, %iota3A_538 : vector<32x1xi32>
      %gt3A_541 = vector.broadcast %add3A_30 : vector<1x256xi32> to vector<32x256xi32>
      %gt3A_542 = vector.broadcast %add3A_540 : vector<32x1xi32> to vector<32x256xi32>
      %gt3A_543 = arith.cmpi sgt, %gt3A_541, %gt3A_542 : vector<32x256xi32>
      %sub3A_544 = vector.broadcast %slice3A_514 : vector<32x1xf32> to vector<32x256xf32>
      %sub3A_545 = vector.broadcast %slice3A_23 : vector<1x256xf32> to vector<32x256xf32>
      %sub3A_546 = arith.subf %sub3A_544, %sub3A_545 : vector<32x256xf32>
      %sub3A_547 = vector.broadcast %slice3A_515 : vector<32x1xf32> to vector<32x256xf32>
      %sub3A_548 = vector.broadcast %slice3A_24 : vector<1x256xf32> to vector<32x256xf32>
      %sub3A_549 = arith.subf %sub3A_547, %sub3A_548 : vector<32x256xf32>
      %mul3A_550 = arith.mulf %sub3A_546, %sub3A_546 : vector<32x256xf32>
      %mul3A_551 = arith.mulf %sub3A_549, %sub3A_549 : vector<32x256xf32>
      %add3A_552 = arith.addf %mul3A_550, %mul3A_551 : vector<32x256xf32>
      %add3A_553 = vector.broadcast %slice3A_516 : vector<32x1xf32> to vector<32x256xf32>
      %add3A_554 = vector.broadcast %slice3A_25 : vector<1x256xf32> to vector<32x256xf32>
      %add3A_555 = arith.addf %add3A_553, %add3A_554 : vector<32x256xf32>
      %add3A_556 = arith.constant 1.500000e-01 : f32
      %add3A_557 = vector.broadcast %add3A_556 : f32 to vector<32x256xf32>
      %add3A_558 = arith.addf %add3A_555, %add3A_557 : vector<32x256xf32>
      %not3A_559 = arith.constant dense<true> : vector<32x256xi1>
      %not3A_560 = arith.xori %or3A_533, %not3A_559 : vector<32x256xi1>
      %and3A_561 = arith.andi %not3A_560, %gt3A_543 : vector<32x256xi1>
      %mul3A_562 = arith.mulf %add3A_558, %add3A_558 : vector<32x256xf32>
      %lt3A_563 = arith.cmpf olt, %add3A_552, %mul3A_562 : vector<32x256xf32>
      %and3A_564 = arith.andi %and3A_561, %lt3A_563 : vector<32x256xi1>
      %convert_element_type3A_565 = arith.extui %and3A_564 : vector<32x256xi1> to vector<32x256xi32>
      %convert_element_type3A_566 = arith.sitofp %convert_element_type3A_565 : vector<32x256xi32> to vector<32x256xf32>
      %mul3A_567 = vector.broadcast %slice3A_510 : vector<32x1xf32> to vector<32x256xf32>
      %mul3A_568 = vector.broadcast %slice3A_19 : vector<1x256xf32> to vector<32x256xf32>
      %mul3A_569 = arith.mulf %mul3A_567, %mul3A_568 : vector<32x256xf32>
      %mul3A_570 = vector.broadcast %slice3A_511 : vector<32x1xf32> to vector<32x256xf32>
      %mul3A_571 = vector.broadcast %slice3A_20 : vector<1x256xf32> to vector<32x256xf32>
      %mul3A_572 = arith.mulf %mul3A_570, %mul3A_571 : vector<32x256xf32>
      %add3A_573 = arith.addf %mul3A_569, %mul3A_572 : vector<32x256xf32>
      %sub3A_574 = vector.broadcast %slice3A_508 : vector<32x1xf32> to vector<32x256xf32>
      %sub3A_575 = vector.broadcast %slice3A : vector<1x256xf32> to vector<32x256xf32>
      %sub3A_576 = arith.subf %sub3A_574, %sub3A_575 : vector<32x256xf32>
      %sub3A_577 = vector.broadcast %slice3A_509 : vector<32x1xf32> to vector<32x256xf32>
      %sub3A_578 = vector.broadcast %slice3A_18 : vector<1x256xf32> to vector<32x256xf32>
      %sub3A_579 = arith.subf %sub3A_577, %sub3A_578 : vector<32x256xf32>
      %mul3A_580 = vector.broadcast %slice3A_510 : vector<32x1xf32> to vector<32x256xf32>
      %mul3A_581 = arith.mulf %mul3A_580, %sub3A_576 : vector<32x256xf32>
      %mul3A_582 = vector.broadcast %slice3A_511 : vector<32x1xf32> to vector<32x256xf32>
      %mul3A_583 = arith.mulf %mul3A_582, %sub3A_579 : vector<32x256xf32>
      %add3A_584 = arith.addf %mul3A_581, %mul3A_583 : vector<32x256xf32>
      %mul3A_585 = vector.broadcast %slice3A_19 : vector<1x256xf32> to vector<32x256xf32>
      %mul3A_586 = arith.mulf %mul3A_585, %sub3A_576 : vector<32x256xf32>
      %mul3A_587 = vector.broadcast %slice3A_20 : vector<1x256xf32> to vector<32x256xf32>
      %mul3A_588 = arith.mulf %mul3A_587, %sub3A_579 : vector<32x256xf32>
      %add3A_589 = arith.addf %mul3A_586, %mul3A_588 : vector<32x256xf32>
      %mul3A_590 = vector.broadcast %slice3A_512 : vector<32x1xf32> to vector<32x256xf32>
      %mul3A_591 = vector.broadcast %slice3A_21 : vector<1x256xf32> to vector<32x256xf32>
      %mul3A_592 = arith.mulf %mul3A_590, %mul3A_591 : vector<32x256xf32>
      %mul3A_593 = arith.mulf %add3A_573, %add3A_573 : vector<32x256xf32>
      %sub3A_594 = arith.subf %mul3A_592, %mul3A_593 : vector<32x256xf32>
      %max3A_595 = arith.constant 9.99999996E-13 : f32
      %max3A_596 = vector.broadcast %max3A_595 : f32 to vector<32x256xf32>
      %max3A_597 = arith.maximumf %sub3A_594, %max3A_596 : vector<32x256xf32>
      %div3A_598 = arith.constant 1.000000e+00 : f32
      %div3A_599 = vector.broadcast %div3A_598 : f32 to vector<32x256xf32>
      %div3A_600 = arith.divf %div3A_599, %max3A_597 : vector<32x256xf32>
      %mul3A_601 = arith.mulf %add3A_573, %add3A_589 : vector<32x256xf32>
      %mul3A_602 = vector.broadcast %slice3A_21 : vector<1x256xf32> to vector<32x256xf32>
      %mul3A_603 = arith.mulf %add3A_584, %mul3A_602 : vector<32x256xf32>
      %sub3A_604 = arith.subf %mul3A_601, %mul3A_603 : vector<32x256xf32>
      %mul3A_605 = arith.mulf %sub3A_604, %div3A_600 : vector<32x256xf32>
      %jit3A_606 = arith.constant 0.000000e+00 : f32
      %jit3A_607 = arith.constant 1.000000e+00 : f32
      %max3A_608 = vector.broadcast %jit3A_606 : f32 to vector<32x256xf32>
      %max3A_609 = arith.maximumf %max3A_608, %mul3A_605 : vector<32x256xf32>
      %min3A_610 = vector.broadcast %jit3A_607 : f32 to vector<32x256xf32>
      %min3A_611 = arith.minimumf %min3A_610, %max3A_609 : vector<32x256xf32>
      %mul3A_612 = arith.mulf %add3A_573, %min3A_611 : vector<32x256xf32>
      %add3A_613 = arith.addf %mul3A_612, %add3A_589 : vector<32x256xf32>
      %mul3A_614 = vector.broadcast %slice3A_22 : vector<1x256xf32> to vector<32x256xf32>
      %mul3A_615 = arith.mulf %add3A_613, %mul3A_614 : vector<32x256xf32>
      %jit3A_616 = arith.constant 0.000000e+00 : f32
      %jit3A_617 = arith.constant 1.000000e+00 : f32
      %max3A_618 = vector.broadcast %jit3A_616 : f32 to vector<32x256xf32>
      %max3A_619 = arith.maximumf %max3A_618, %mul3A_615 : vector<32x256xf32>
      %min3A_620 = vector.broadcast %jit3A_617 : f32 to vector<32x256xf32>
      %min3A_621 = arith.minimumf %min3A_620, %max3A_619 : vector<32x256xf32>
      %mul3A_622 = arith.mulf %add3A_573, %min3A_621 : vector<32x256xf32>
      %sub3A_623 = arith.subf %mul3A_622, %add3A_584 : vector<32x256xf32>
      %mul3A_624 = vector.broadcast %slice3A_513 : vector<32x1xf32> to vector<32x256xf32>
      %mul3A_625 = arith.mulf %sub3A_623, %mul3A_624 : vector<32x256xf32>
      %jit3A_626 = arith.constant 0.000000e+00 : f32
      %jit3A_627 = arith.constant 1.000000e+00 : f32
      %max3A_628 = vector.broadcast %jit3A_626 : f32 to vector<32x256xf32>
      %max3A_629 = arith.maximumf %max3A_628, %mul3A_625 : vector<32x256xf32>
      %min3A_630 = vector.broadcast %jit3A_627 : f32 to vector<32x256xf32>
      %min3A_631 = arith.minimumf %min3A_630, %max3A_629 : vector<32x256xf32>
      %mul3A_632 = vector.broadcast %slice3A_510 : vector<32x1xf32> to vector<32x256xf32>
      %mul3A_633 = arith.mulf %min3A_631, %mul3A_632 : vector<32x256xf32>
      %add3A_634 = arith.addf %sub3A_576, %mul3A_633 : vector<32x256xf32>
      %mul3A_635 = vector.broadcast %slice3A_19 : vector<1x256xf32> to vector<32x256xf32>
      %mul3A_636 = arith.mulf %min3A_621, %mul3A_635 : vector<32x256xf32>
      %sub3A_637 = arith.subf %add3A_634, %mul3A_636 : vector<32x256xf32>
      %mul3A_638 = vector.broadcast %slice3A_511 : vector<32x1xf32> to vector<32x256xf32>
      %mul3A_639 = arith.mulf %min3A_631, %mul3A_638 : vector<32x256xf32>
      %add3A_640 = arith.addf %sub3A_579, %mul3A_639 : vector<32x256xf32>
      %mul3A_641 = vector.broadcast %slice3A_20 : vector<1x256xf32> to vector<32x256xf32>
      %mul3A_642 = arith.mulf %min3A_621, %mul3A_641 : vector<32x256xf32>
      %sub3A_643 = arith.subf %add3A_640, %mul3A_642 : vector<32x256xf32>
      %mul3A_644 = arith.mulf %sub3A_637, %sub3A_637 : vector<32x256xf32>
      %mul3A_645 = arith.mulf %sub3A_643, %sub3A_643 : vector<32x256xf32>
      %add3A_646 = arith.addf %mul3A_644, %mul3A_645 : vector<32x256xf32>
      %max3A_647 = arith.constant 1.000000e-24 : f32
      %max3A_648 = vector.broadcast %max3A_647 : f32 to vector<32x256xf32>
      %max3A_649 = arith.maximumf %add3A_646, %max3A_648 : vector<32x256xf32>
      %sqrt3A_650 = math.sqrt %max3A_649 : vector<32x256xf32>
      %sub3A_651 = arith.constant 1.000000e-03 : f32
      %sub3A_652 = vector.broadcast %sub3A_651 : f32 to vector<32x256xf32>
      %sub3A_653 = arith.subf %sub3A_652, %sqrt3A_650 : vector<32x256xf32>
      %max3A_654 = arith.constant 0.000000e+00 : f32
      %max3A_655 = vector.broadcast %max3A_654 : f32 to vector<32x256xf32>
      %max3A_656 = arith.maximumf %sub3A_653, %max3A_655 : vector<32x256xf32>
      %mul3A_657 = arith.mulf %max3A_656, %convert_element_type3A_566 : vector<32x256xf32>
      %add3A_658 = arith.addf %add3A_499, %mul3A_657 : vector<32x256xf32>
      %add3A_659 = arith.addf %add3A_500, %convert_element_type3A_566 : vector<32x256xf32>
      %mul3A_660 = arith.constant 256 : i32
      %mul3A_661 = arith.muli %arg0, %mul3A_660 : i32
      %add3A_662 = arith.constant 128 : i32
      %add3A_663 = arith.addi %mul3A_661, %add3A_662 : i32
      %get3A_664 = arith.index_cast %add3A_663 : i32 to index
      %get3A_665 = arith.constant 0 : index
      %get3A_666 = vector.load %arg2[%get3A_664, %get3A_665] : memref<2048x16xf32, #tpu.memory_space<vmem>>, vector<32x16xf32>
      %slice3A_667 = vector.extract_strided_slice %get3A_666 {offsets = [0, 0], sizes = [32, 1], strides = [1, 1]} : vector<32x16xf32> to vector<32x1xf32>
      %slice3A_668 = vector.extract_strided_slice %get3A_666 {offsets = [0, 1], sizes = [32, 1], strides = [1, 1]} : vector<32x16xf32> to vector<32x1xf32>
      %slice3A_669 = vector.extract_strided_slice %get3A_666 {offsets = [0, 2], sizes = [32, 1], strides = [1, 1]} : vector<32x16xf32> to vector<32x1xf32>
      %slice3A_670 = vector.extract_strided_slice %get3A_666 {offsets = [0, 3], sizes = [32, 1], strides = [1, 1]} : vector<32x16xf32> to vector<32x1xf32>
      %slice3A_671 = vector.extract_strided_slice %get3A_666 {offsets = [0, 4], sizes = [32, 1], strides = [1, 1]} : vector<32x16xf32> to vector<32x1xf32>
      %slice3A_672 = vector.extract_strided_slice %get3A_666 {offsets = [0, 5], sizes = [32, 1], strides = [1, 1]} : vector<32x16xf32> to vector<32x1xf32>
      %slice3A_673 = vector.extract_strided_slice %get3A_666 {offsets = [0, 6], sizes = [32, 1], strides = [1, 1]} : vector<32x16xf32> to vector<32x1xf32>
      %slice3A_674 = vector.extract_strided_slice %get3A_666 {offsets = [0, 7], sizes = [32, 1], strides = [1, 1]} : vector<32x16xf32> to vector<32x1xf32>
      %slice3A_675 = vector.extract_strided_slice %get3A_666 {offsets = [0, 8], sizes = [32, 1], strides = [1, 1]} : vector<32x16xf32> to vector<32x1xf32>
      %slice3A_676 = vector.extract_strided_slice %get3A_666 {offsets = [0, 9], sizes = [32, 1], strides = [1, 1]} : vector<32x16xf32> to vector<32x1xf32>
      %slice3A_677 = vector.extract_strided_slice %get3A_666 {offsets = [0, 10], sizes = [32, 1], strides = [1, 1]} : vector<32x16xf32> to vector<32x1xf32>
      %eq3A_678 = vector.broadcast %slice3A_676 : vector<32x1xf32> to vector<32x256xf32>
      %eq3A_679 = vector.broadcast %slice3A_26 : vector<1x256xf32> to vector<32x256xf32>
      %eq3A_680 = arith.cmpf oeq, %eq3A_678, %eq3A_679 : vector<32x256xf32>
      %eq3A_681 = vector.broadcast %slice3A_676 : vector<32x1xf32> to vector<32x256xf32>
      %eq3A_682 = vector.broadcast %slice3A_27 : vector<1x256xf32> to vector<32x256xf32>
      %eq3A_683 = arith.cmpf oeq, %eq3A_681, %eq3A_682 : vector<32x256xf32>
      %or3A_684 = arith.ori %eq3A_680, %eq3A_683 : vector<32x256xi1>
      %eq3A_685 = vector.broadcast %slice3A_677 : vector<32x1xf32> to vector<32x256xf32>
      %eq3A_686 = vector.broadcast %slice3A_26 : vector<1x256xf32> to vector<32x256xf32>
      %eq3A_687 = arith.cmpf oeq, %eq3A_685, %eq3A_686 : vector<32x256xf32>
      %or3A_688 = arith.ori %or3A_684, %eq3A_687 : vector<32x256xi1>
      %eq3A_689 = vector.broadcast %slice3A_677 : vector<32x1xf32> to vector<32x256xf32>
      %eq3A_690 = vector.broadcast %slice3A_27 : vector<1x256xf32> to vector<32x256xf32>
      %eq3A_691 = arith.cmpf oeq, %eq3A_689, %eq3A_690 : vector<32x256xf32>
      %or3A_692 = arith.ori %or3A_688, %eq3A_691 : vector<32x256xi1>
      %mul3A_693 = arith.constant 256 : i32
      %mul3A_694 = arith.muli %arg0, %mul3A_693 : i32
      %add3A_695 = arith.constant 128 : i32
      %add3A_696 = arith.addi %mul3A_694, %add3A_695 : i32
      %iota3A_697 = tpu.iota {dimensions = array<i32: 0>} : vector<32x1xi32>
      %add3A_698 = vector.broadcast %add3A_696 : i32 to vector<32x1xi32>
      %add3A_699 = arith.addi %add3A_698, %iota3A_697 : vector<32x1xi32>
      %gt3A_700 = vector.broadcast %add3A_30 : vector<1x256xi32> to vector<32x256xi32>
      %gt3A_701 = vector.broadcast %add3A_699 : vector<32x1xi32> to vector<32x256xi32>
      %gt3A_702 = arith.cmpi sgt, %gt3A_700, %gt3A_701 : vector<32x256xi32>
      %sub3A_703 = vector.broadcast %slice3A_673 : vector<32x1xf32> to vector<32x256xf32>
      %sub3A_704 = vector.broadcast %slice3A_23 : vector<1x256xf32> to vector<32x256xf32>
      %sub3A_705 = arith.subf %sub3A_703, %sub3A_704 : vector<32x256xf32>
      %sub3A_706 = vector.broadcast %slice3A_674 : vector<32x1xf32> to vector<32x256xf32>
      %sub3A_707 = vector.broadcast %slice3A_24 : vector<1x256xf32> to vector<32x256xf32>
      %sub3A_708 = arith.subf %sub3A_706, %sub3A_707 : vector<32x256xf32>
      %mul3A_709 = arith.mulf %sub3A_705, %sub3A_705 : vector<32x256xf32>
      %mul3A_710 = arith.mulf %sub3A_708, %sub3A_708 : vector<32x256xf32>
      %add3A_711 = arith.addf %mul3A_709, %mul3A_710 : vector<32x256xf32>
      %add3A_712 = vector.broadcast %slice3A_675 : vector<32x1xf32> to vector<32x256xf32>
      %add3A_713 = vector.broadcast %slice3A_25 : vector<1x256xf32> to vector<32x256xf32>
      %add3A_714 = arith.addf %add3A_712, %add3A_713 : vector<32x256xf32>
      %add3A_715 = arith.constant 1.500000e-01 : f32
      %add3A_716 = vector.broadcast %add3A_715 : f32 to vector<32x256xf32>
      %add3A_717 = arith.addf %add3A_714, %add3A_716 : vector<32x256xf32>
      %not3A_718 = arith.constant dense<true> : vector<32x256xi1>
      %not3A_719 = arith.xori %or3A_692, %not3A_718 : vector<32x256xi1>
      %and3A_720 = arith.andi %not3A_719, %gt3A_702 : vector<32x256xi1>
      %mul3A_721 = arith.mulf %add3A_717, %add3A_717 : vector<32x256xf32>
      %lt3A_722 = arith.cmpf olt, %add3A_711, %mul3A_721 : vector<32x256xf32>
      %and3A_723 = arith.andi %and3A_720, %lt3A_722 : vector<32x256xi1>
      %convert_element_type3A_724 = arith.extui %and3A_723 : vector<32x256xi1> to vector<32x256xi32>
      %convert_element_type3A_725 = arith.sitofp %convert_element_type3A_724 : vector<32x256xi32> to vector<32x256xf32>
      %mul3A_726 = vector.broadcast %slice3A_669 : vector<32x1xf32> to vector<32x256xf32>
      %mul3A_727 = vector.broadcast %slice3A_19 : vector<1x256xf32> to vector<32x256xf32>
      %mul3A_728 = arith.mulf %mul3A_726, %mul3A_727 : vector<32x256xf32>
      %mul3A_729 = vector.broadcast %slice3A_670 : vector<32x1xf32> to vector<32x256xf32>
      %mul3A_730 = vector.broadcast %slice3A_20 : vector<1x256xf32> to vector<32x256xf32>
      %mul3A_731 = arith.mulf %mul3A_729, %mul3A_730 : vector<32x256xf32>
      %add3A_732 = arith.addf %mul3A_728, %mul3A_731 : vector<32x256xf32>
      %sub3A_733 = vector.broadcast %slice3A_667 : vector<32x1xf32> to vector<32x256xf32>
      %sub3A_734 = vector.broadcast %slice3A : vector<1x256xf32> to vector<32x256xf32>
      %sub3A_735 = arith.subf %sub3A_733, %sub3A_734 : vector<32x256xf32>
      %sub3A_736 = vector.broadcast %slice3A_668 : vector<32x1xf32> to vector<32x256xf32>
      %sub3A_737 = vector.broadcast %slice3A_18 : vector<1x256xf32> to vector<32x256xf32>
      %sub3A_738 = arith.subf %sub3A_736, %sub3A_737 : vector<32x256xf32>
      %mul3A_739 = vector.broadcast %slice3A_669 : vector<32x1xf32> to vector<32x256xf32>
      %mul3A_740 = arith.mulf %mul3A_739, %sub3A_735 : vector<32x256xf32>
      %mul3A_741 = vector.broadcast %slice3A_670 : vector<32x1xf32> to vector<32x256xf32>
      %mul3A_742 = arith.mulf %mul3A_741, %sub3A_738 : vector<32x256xf32>
      %add3A_743 = arith.addf %mul3A_740, %mul3A_742 : vector<32x256xf32>
      %mul3A_744 = vector.broadcast %slice3A_19 : vector<1x256xf32> to vector<32x256xf32>
      %mul3A_745 = arith.mulf %mul3A_744, %sub3A_735 : vector<32x256xf32>
      %mul3A_746 = vector.broadcast %slice3A_20 : vector<1x256xf32> to vector<32x256xf32>
      %mul3A_747 = arith.mulf %mul3A_746, %sub3A_738 : vector<32x256xf32>
      %add3A_748 = arith.addf %mul3A_745, %mul3A_747 : vector<32x256xf32>
      %mul3A_749 = vector.broadcast %slice3A_671 : vector<32x1xf32> to vector<32x256xf32>
      %mul3A_750 = vector.broadcast %slice3A_21 : vector<1x256xf32> to vector<32x256xf32>
      %mul3A_751 = arith.mulf %mul3A_749, %mul3A_750 : vector<32x256xf32>
      %mul3A_752 = arith.mulf %add3A_732, %add3A_732 : vector<32x256xf32>
      %sub3A_753 = arith.subf %mul3A_751, %mul3A_752 : vector<32x256xf32>
      %max3A_754 = arith.constant 9.99999996E-13 : f32
      %max3A_755 = vector.broadcast %max3A_754 : f32 to vector<32x256xf32>
      %max3A_756 = arith.maximumf %sub3A_753, %max3A_755 : vector<32x256xf32>
      %div3A_757 = arith.constant 1.000000e+00 : f32
      %div3A_758 = vector.broadcast %div3A_757 : f32 to vector<32x256xf32>
      %div3A_759 = arith.divf %div3A_758, %max3A_756 : vector<32x256xf32>
      %mul3A_760 = arith.mulf %add3A_732, %add3A_748 : vector<32x256xf32>
      %mul3A_761 = vector.broadcast %slice3A_21 : vector<1x256xf32> to vector<32x256xf32>
      %mul3A_762 = arith.mulf %add3A_743, %mul3A_761 : vector<32x256xf32>
      %sub3A_763 = arith.subf %mul3A_760, %mul3A_762 : vector<32x256xf32>
      %mul3A_764 = arith.mulf %sub3A_763, %div3A_759 : vector<32x256xf32>
      %jit3A_765 = arith.constant 0.000000e+00 : f32
      %jit3A_766 = arith.constant 1.000000e+00 : f32
      %max3A_767 = vector.broadcast %jit3A_765 : f32 to vector<32x256xf32>
      %max3A_768 = arith.maximumf %max3A_767, %mul3A_764 : vector<32x256xf32>
      %min3A_769 = vector.broadcast %jit3A_766 : f32 to vector<32x256xf32>
      %min3A_770 = arith.minimumf %min3A_769, %max3A_768 : vector<32x256xf32>
      %mul3A_771 = arith.mulf %add3A_732, %min3A_770 : vector<32x256xf32>
      %add3A_772 = arith.addf %mul3A_771, %add3A_748 : vector<32x256xf32>
      %mul3A_773 = vector.broadcast %slice3A_22 : vector<1x256xf32> to vector<32x256xf32>
      %mul3A_774 = arith.mulf %add3A_772, %mul3A_773 : vector<32x256xf32>
      %jit3A_775 = arith.constant 0.000000e+00 : f32
      %jit3A_776 = arith.constant 1.000000e+00 : f32
      %max3A_777 = vector.broadcast %jit3A_775 : f32 to vector<32x256xf32>
      %max3A_778 = arith.maximumf %max3A_777, %mul3A_774 : vector<32x256xf32>
      %min3A_779 = vector.broadcast %jit3A_776 : f32 to vector<32x256xf32>
      %min3A_780 = arith.minimumf %min3A_779, %max3A_778 : vector<32x256xf32>
      %mul3A_781 = arith.mulf %add3A_732, %min3A_780 : vector<32x256xf32>
      %sub3A_782 = arith.subf %mul3A_781, %add3A_743 : vector<32x256xf32>
      %mul3A_783 = vector.broadcast %slice3A_672 : vector<32x1xf32> to vector<32x256xf32>
      %mul3A_784 = arith.mulf %sub3A_782, %mul3A_783 : vector<32x256xf32>
      %jit3A_785 = arith.constant 0.000000e+00 : f32
      %jit3A_786 = arith.constant 1.000000e+00 : f32
      %max3A_787 = vector.broadcast %jit3A_785 : f32 to vector<32x256xf32>
      %max3A_788 = arith.maximumf %max3A_787, %mul3A_784 : vector<32x256xf32>
      %min3A_789 = vector.broadcast %jit3A_786 : f32 to vector<32x256xf32>
      %min3A_790 = arith.minimumf %min3A_789, %max3A_788 : vector<32x256xf32>
      %mul3A_791 = vector.broadcast %slice3A_669 : vector<32x1xf32> to vector<32x256xf32>
      %mul3A_792 = arith.mulf %min3A_790, %mul3A_791 : vector<32x256xf32>
      %add3A_793 = arith.addf %sub3A_735, %mul3A_792 : vector<32x256xf32>
      %mul3A_794 = vector.broadcast %slice3A_19 : vector<1x256xf32> to vector<32x256xf32>
      %mul3A_795 = arith.mulf %min3A_780, %mul3A_794 : vector<32x256xf32>
      %sub3A_796 = arith.subf %add3A_793, %mul3A_795 : vector<32x256xf32>
      %mul3A_797 = vector.broadcast %slice3A_670 : vector<32x1xf32> to vector<32x256xf32>
      %mul3A_798 = arith.mulf %min3A_790, %mul3A_797 : vector<32x256xf32>
      %add3A_799 = arith.addf %sub3A_738, %mul3A_798 : vector<32x256xf32>
      %mul3A_800 = vector.broadcast %slice3A_20 : vector<1x256xf32> to vector<32x256xf32>
      %mul3A_801 = arith.mulf %min3A_780, %mul3A_800 : vector<32x256xf32>
      %sub3A_802 = arith.subf %add3A_799, %mul3A_801 : vector<32x256xf32>
      %mul3A_803 = arith.mulf %sub3A_796, %sub3A_796 : vector<32x256xf32>
      %mul3A_804 = arith.mulf %sub3A_802, %sub3A_802 : vector<32x256xf32>
      %add3A_805 = arith.addf %mul3A_803, %mul3A_804 : vector<32x256xf32>
      %max3A_806 = arith.constant 1.000000e-24 : f32
      %max3A_807 = vector.broadcast %max3A_806 : f32 to vector<32x256xf32>
      %max3A_808 = arith.maximumf %add3A_805, %max3A_807 : vector<32x256xf32>
      %sqrt3A_809 = math.sqrt %max3A_808 : vector<32x256xf32>
      %sub3A_810 = arith.constant 1.000000e-03 : f32
      %sub3A_811 = vector.broadcast %sub3A_810 : f32 to vector<32x256xf32>
      %sub3A_812 = arith.subf %sub3A_811, %sqrt3A_809 : vector<32x256xf32>
      %max3A_813 = arith.constant 0.000000e+00 : f32
      %max3A_814 = vector.broadcast %max3A_813 : f32 to vector<32x256xf32>
      %max3A_815 = arith.maximumf %sub3A_812, %max3A_814 : vector<32x256xf32>
      %mul3A_816 = arith.mulf %max3A_815, %convert_element_type3A_725 : vector<32x256xf32>
      %add3A_817 = arith.addf %add3A_658, %mul3A_816 : vector<32x256xf32>
      %add3A_818 = arith.addf %add3A_659, %convert_element_type3A_725 : vector<32x256xf32>
      %mul3A_819 = arith.constant 256 : i32
      %mul3A_820 = arith.muli %arg0, %mul3A_819 : i32
      %add3A_821 = arith.constant 160 : i32
      %add3A_822 = arith.addi %mul3A_820, %add3A_821 : i32
      %get3A_823 = arith.index_cast %add3A_822 : i32 to index
      %get3A_824 = arith.constant 0 : index
      %get3A_825 = vector.load %arg2[%get3A_823, %get3A_824] : memref<2048x16xf32, #tpu.memory_space<vmem>>, vector<32x16xf32>
      %slice3A_826 = vector.extract_strided_slice %get3A_825 {offsets = [0, 0], sizes = [32, 1], strides = [1, 1]} : vector<32x16xf32> to vector<32x1xf32>
      %slice3A_827 = vector.extract_strided_slice %get3A_825 {offsets = [0, 1], sizes = [32, 1], strides = [1, 1]} : vector<32x16xf32> to vector<32x1xf32>
      %slice3A_828 = vector.extract_strided_slice %get3A_825 {offsets = [0, 2], sizes = [32, 1], strides = [1, 1]} : vector<32x16xf32> to vector<32x1xf32>
      %slice3A_829 = vector.extract_strided_slice %get3A_825 {offsets = [0, 3], sizes = [32, 1], strides = [1, 1]} : vector<32x16xf32> to vector<32x1xf32>
      %slice3A_830 = vector.extract_strided_slice %get3A_825 {offsets = [0, 4], sizes = [32, 1], strides = [1, 1]} : vector<32x16xf32> to vector<32x1xf32>
      %slice3A_831 = vector.extract_strided_slice %get3A_825 {offsets = [0, 5], sizes = [32, 1], strides = [1, 1]} : vector<32x16xf32> to vector<32x1xf32>
      %slice3A_832 = vector.extract_strided_slice %get3A_825 {offsets = [0, 6], sizes = [32, 1], strides = [1, 1]} : vector<32x16xf32> to vector<32x1xf32>
      %slice3A_833 = vector.extract_strided_slice %get3A_825 {offsets = [0, 7], sizes = [32, 1], strides = [1, 1]} : vector<32x16xf32> to vector<32x1xf32>
      %slice3A_834 = vector.extract_strided_slice %get3A_825 {offsets = [0, 8], sizes = [32, 1], strides = [1, 1]} : vector<32x16xf32> to vector<32x1xf32>
      %slice3A_835 = vector.extract_strided_slice %get3A_825 {offsets = [0, 9], sizes = [32, 1], strides = [1, 1]} : vector<32x16xf32> to vector<32x1xf32>
      %slice3A_836 = vector.extract_strided_slice %get3A_825 {offsets = [0, 10], sizes = [32, 1], strides = [1, 1]} : vector<32x16xf32> to vector<32x1xf32>
      %eq3A_837 = vector.broadcast %slice3A_835 : vector<32x1xf32> to vector<32x256xf32>
      %eq3A_838 = vector.broadcast %slice3A_26 : vector<1x256xf32> to vector<32x256xf32>
      %eq3A_839 = arith.cmpf oeq, %eq3A_837, %eq3A_838 : vector<32x256xf32>
      %eq3A_840 = vector.broadcast %slice3A_835 : vector<32x1xf32> to vector<32x256xf32>
      %eq3A_841 = vector.broadcast %slice3A_27 : vector<1x256xf32> to vector<32x256xf32>
      %eq3A_842 = arith.cmpf oeq, %eq3A_840, %eq3A_841 : vector<32x256xf32>
      %or3A_843 = arith.ori %eq3A_839, %eq3A_842 : vector<32x256xi1>
      %eq3A_844 = vector.broadcast %slice3A_836 : vector<32x1xf32> to vector<32x256xf32>
      %eq3A_845 = vector.broadcast %slice3A_26 : vector<1x256xf32> to vector<32x256xf32>
      %eq3A_846 = arith.cmpf oeq, %eq3A_844, %eq3A_845 : vector<32x256xf32>
      %or3A_847 = arith.ori %or3A_843, %eq3A_846 : vector<32x256xi1>
      %eq3A_848 = vector.broadcast %slice3A_836 : vector<32x1xf32> to vector<32x256xf32>
      %eq3A_849 = vector.broadcast %slice3A_27 : vector<1x256xf32> to vector<32x256xf32>
      %eq3A_850 = arith.cmpf oeq, %eq3A_848, %eq3A_849 : vector<32x256xf32>
      %or3A_851 = arith.ori %or3A_847, %eq3A_850 : vector<32x256xi1>
      %mul3A_852 = arith.constant 256 : i32
      %mul3A_853 = arith.muli %arg0, %mul3A_852 : i32
      %add3A_854 = arith.constant 160 : i32
      %add3A_855 = arith.addi %mul3A_853, %add3A_854 : i32
      %iota3A_856 = tpu.iota {dimensions = array<i32: 0>} : vector<32x1xi32>
      %add3A_857 = vector.broadcast %add3A_855 : i32 to vector<32x1xi32>
      %add3A_858 = arith.addi %add3A_857, %iota3A_856 : vector<32x1xi32>
      %gt3A_859 = vector.broadcast %add3A_30 : vector<1x256xi32> to vector<32x256xi32>
      %gt3A_860 = vector.broadcast %add3A_858 : vector<32x1xi32> to vector<32x256xi32>
      %gt3A_861 = arith.cmpi sgt, %gt3A_859, %gt3A_860 : vector<32x256xi32>
      %sub3A_862 = vector.broadcast %slice3A_832 : vector<32x1xf32> to vector<32x256xf32>
      %sub3A_863 = vector.broadcast %slice3A_23 : vector<1x256xf32> to vector<32x256xf32>
      %sub3A_864 = arith.subf %sub3A_862, %sub3A_863 : vector<32x256xf32>
      %sub3A_865 = vector.broadcast %slice3A_833 : vector<32x1xf32> to vector<32x256xf32>
      %sub3A_866 = vector.broadcast %slice3A_24 : vector<1x256xf32> to vector<32x256xf32>
      %sub3A_867 = arith.subf %sub3A_865, %sub3A_866 : vector<32x256xf32>
      %mul3A_868 = arith.mulf %sub3A_864, %sub3A_864 : vector<32x256xf32>
      %mul3A_869 = arith.mulf %sub3A_867, %sub3A_867 : vector<32x256xf32>
      %add3A_870 = arith.addf %mul3A_868, %mul3A_869 : vector<32x256xf32>
      %add3A_871 = vector.broadcast %slice3A_834 : vector<32x1xf32> to vector<32x256xf32>
      %add3A_872 = vector.broadcast %slice3A_25 : vector<1x256xf32> to vector<32x256xf32>
      %add3A_873 = arith.addf %add3A_871, %add3A_872 : vector<32x256xf32>
      %add3A_874 = arith.constant 1.500000e-01 : f32
      %add3A_875 = vector.broadcast %add3A_874 : f32 to vector<32x256xf32>
      %add3A_876 = arith.addf %add3A_873, %add3A_875 : vector<32x256xf32>
      %not3A_877 = arith.constant dense<true> : vector<32x256xi1>
      %not3A_878 = arith.xori %or3A_851, %not3A_877 : vector<32x256xi1>
      %and3A_879 = arith.andi %not3A_878, %gt3A_861 : vector<32x256xi1>
      %mul3A_880 = arith.mulf %add3A_876, %add3A_876 : vector<32x256xf32>
      %lt3A_881 = arith.cmpf olt, %add3A_870, %mul3A_880 : vector<32x256xf32>
      %and3A_882 = arith.andi %and3A_879, %lt3A_881 : vector<32x256xi1>
      %convert_element_type3A_883 = arith.extui %and3A_882 : vector<32x256xi1> to vector<32x256xi32>
      %convert_element_type3A_884 = arith.sitofp %convert_element_type3A_883 : vector<32x256xi32> to vector<32x256xf32>
      %mul3A_885 = vector.broadcast %slice3A_828 : vector<32x1xf32> to vector<32x256xf32>
      %mul3A_886 = vector.broadcast %slice3A_19 : vector<1x256xf32> to vector<32x256xf32>
      %mul3A_887 = arith.mulf %mul3A_885, %mul3A_886 : vector<32x256xf32>
      %mul3A_888 = vector.broadcast %slice3A_829 : vector<32x1xf32> to vector<32x256xf32>
      %mul3A_889 = vector.broadcast %slice3A_20 : vector<1x256xf32> to vector<32x256xf32>
      %mul3A_890 = arith.mulf %mul3A_888, %mul3A_889 : vector<32x256xf32>
      %add3A_891 = arith.addf %mul3A_887, %mul3A_890 : vector<32x256xf32>
      %sub3A_892 = vector.broadcast %slice3A_826 : vector<32x1xf32> to vector<32x256xf32>
      %sub3A_893 = vector.broadcast %slice3A : vector<1x256xf32> to vector<32x256xf32>
      %sub3A_894 = arith.subf %sub3A_892, %sub3A_893 : vector<32x256xf32>
      %sub3A_895 = vector.broadcast %slice3A_827 : vector<32x1xf32> to vector<32x256xf32>
      %sub3A_896 = vector.broadcast %slice3A_18 : vector<1x256xf32> to vector<32x256xf32>
      %sub3A_897 = arith.subf %sub3A_895, %sub3A_896 : vector<32x256xf32>
      %mul3A_898 = vector.broadcast %slice3A_828 : vector<32x1xf32> to vector<32x256xf32>
      %mul3A_899 = arith.mulf %mul3A_898, %sub3A_894 : vector<32x256xf32>
      %mul3A_900 = vector.broadcast %slice3A_829 : vector<32x1xf32> to vector<32x256xf32>
      %mul3A_901 = arith.mulf %mul3A_900, %sub3A_897 : vector<32x256xf32>
      %add3A_902 = arith.addf %mul3A_899, %mul3A_901 : vector<32x256xf32>
      %mul3A_903 = vector.broadcast %slice3A_19 : vector<1x256xf32> to vector<32x256xf32>
      %mul3A_904 = arith.mulf %mul3A_903, %sub3A_894 : vector<32x256xf32>
      %mul3A_905 = vector.broadcast %slice3A_20 : vector<1x256xf32> to vector<32x256xf32>
      %mul3A_906 = arith.mulf %mul3A_905, %sub3A_897 : vector<32x256xf32>
      %add3A_907 = arith.addf %mul3A_904, %mul3A_906 : vector<32x256xf32>
      %mul3A_908 = vector.broadcast %slice3A_830 : vector<32x1xf32> to vector<32x256xf32>
      %mul3A_909 = vector.broadcast %slice3A_21 : vector<1x256xf32> to vector<32x256xf32>
      %mul3A_910 = arith.mulf %mul3A_908, %mul3A_909 : vector<32x256xf32>
      %mul3A_911 = arith.mulf %add3A_891, %add3A_891 : vector<32x256xf32>
      %sub3A_912 = arith.subf %mul3A_910, %mul3A_911 : vector<32x256xf32>
      %max3A_913 = arith.constant 9.99999996E-13 : f32
      %max3A_914 = vector.broadcast %max3A_913 : f32 to vector<32x256xf32>
      %max3A_915 = arith.maximumf %sub3A_912, %max3A_914 : vector<32x256xf32>
      %div3A_916 = arith.constant 1.000000e+00 : f32
      %div3A_917 = vector.broadcast %div3A_916 : f32 to vector<32x256xf32>
      %div3A_918 = arith.divf %div3A_917, %max3A_915 : vector<32x256xf32>
      %mul3A_919 = arith.mulf %add3A_891, %add3A_907 : vector<32x256xf32>
      %mul3A_920 = vector.broadcast %slice3A_21 : vector<1x256xf32> to vector<32x256xf32>
      %mul3A_921 = arith.mulf %add3A_902, %mul3A_920 : vector<32x256xf32>
      %sub3A_922 = arith.subf %mul3A_919, %mul3A_921 : vector<32x256xf32>
      %mul3A_923 = arith.mulf %sub3A_922, %div3A_918 : vector<32x256xf32>
      %jit3A_924 = arith.constant 0.000000e+00 : f32
      %jit3A_925 = arith.constant 1.000000e+00 : f32
      %max3A_926 = vector.broadcast %jit3A_924 : f32 to vector<32x256xf32>
      %max3A_927 = arith.maximumf %max3A_926, %mul3A_923 : vector<32x256xf32>
      %min3A_928 = vector.broadcast %jit3A_925 : f32 to vector<32x256xf32>
      %min3A_929 = arith.minimumf %min3A_928, %max3A_927 : vector<32x256xf32>
      %mul3A_930 = arith.mulf %add3A_891, %min3A_929 : vector<32x256xf32>
      %add3A_931 = arith.addf %mul3A_930, %add3A_907 : vector<32x256xf32>
      %mul3A_932 = vector.broadcast %slice3A_22 : vector<1x256xf32> to vector<32x256xf32>
      %mul3A_933 = arith.mulf %add3A_931, %mul3A_932 : vector<32x256xf32>
      %jit3A_934 = arith.constant 0.000000e+00 : f32
      %jit3A_935 = arith.constant 1.000000e+00 : f32
      %max3A_936 = vector.broadcast %jit3A_934 : f32 to vector<32x256xf32>
      %max3A_937 = arith.maximumf %max3A_936, %mul3A_933 : vector<32x256xf32>
      %min3A_938 = vector.broadcast %jit3A_935 : f32 to vector<32x256xf32>
      %min3A_939 = arith.minimumf %min3A_938, %max3A_937 : vector<32x256xf32>
      %mul3A_940 = arith.mulf %add3A_891, %min3A_939 : vector<32x256xf32>
      %sub3A_941 = arith.subf %mul3A_940, %add3A_902 : vector<32x256xf32>
      %mul3A_942 = vector.broadcast %slice3A_831 : vector<32x1xf32> to vector<32x256xf32>
      %mul3A_943 = arith.mulf %sub3A_941, %mul3A_942 : vector<32x256xf32>
      %jit3A_944 = arith.constant 0.000000e+00 : f32
      %jit3A_945 = arith.constant 1.000000e+00 : f32
      %max3A_946 = vector.broadcast %jit3A_944 : f32 to vector<32x256xf32>
      %max3A_947 = arith.maximumf %max3A_946, %mul3A_943 : vector<32x256xf32>
      %min3A_948 = vector.broadcast %jit3A_945 : f32 to vector<32x256xf32>
      %min3A_949 = arith.minimumf %min3A_948, %max3A_947 : vector<32x256xf32>
      %mul3A_950 = vector.broadcast %slice3A_828 : vector<32x1xf32> to vector<32x256xf32>
      %mul3A_951 = arith.mulf %min3A_949, %mul3A_950 : vector<32x256xf32>
      %add3A_952 = arith.addf %sub3A_894, %mul3A_951 : vector<32x256xf32>
      %mul3A_953 = vector.broadcast %slice3A_19 : vector<1x256xf32> to vector<32x256xf32>
      %mul3A_954 = arith.mulf %min3A_939, %mul3A_953 : vector<32x256xf32>
      %sub3A_955 = arith.subf %add3A_952, %mul3A_954 : vector<32x256xf32>
      %mul3A_956 = vector.broadcast %slice3A_829 : vector<32x1xf32> to vector<32x256xf32>
      %mul3A_957 = arith.mulf %min3A_949, %mul3A_956 : vector<32x256xf32>
      %add3A_958 = arith.addf %sub3A_897, %mul3A_957 : vector<32x256xf32>
      %mul3A_959 = vector.broadcast %slice3A_20 : vector<1x256xf32> to vector<32x256xf32>
      %mul3A_960 = arith.mulf %min3A_939, %mul3A_959 : vector<32x256xf32>
      %sub3A_961 = arith.subf %add3A_958, %mul3A_960 : vector<32x256xf32>
      %mul3A_962 = arith.mulf %sub3A_955, %sub3A_955 : vector<32x256xf32>
      %mul3A_963 = arith.mulf %sub3A_961, %sub3A_961 : vector<32x256xf32>
      %add3A_964 = arith.addf %mul3A_962, %mul3A_963 : vector<32x256xf32>
      %max3A_965 = arith.constant 1.000000e-24 : f32
      %max3A_966 = vector.broadcast %max3A_965 : f32 to vector<32x256xf32>
      %max3A_967 = arith.maximumf %add3A_964, %max3A_966 : vector<32x256xf32>
      %sqrt3A_968 = math.sqrt %max3A_967 : vector<32x256xf32>
      %sub3A_969 = arith.constant 1.000000e-03 : f32
      %sub3A_970 = vector.broadcast %sub3A_969 : f32 to vector<32x256xf32>
      %sub3A_971 = arith.subf %sub3A_970, %sqrt3A_968 : vector<32x256xf32>
      %max3A_972 = arith.constant 0.000000e+00 : f32
      %max3A_973 = vector.broadcast %max3A_972 : f32 to vector<32x256xf32>
      %max3A_974 = arith.maximumf %sub3A_971, %max3A_973 : vector<32x256xf32>
      %mul3A_975 = arith.mulf %max3A_974, %convert_element_type3A_884 : vector<32x256xf32>
      %add3A_976 = arith.addf %add3A_817, %mul3A_975 : vector<32x256xf32>
      %add3A_977 = arith.addf %add3A_818, %convert_element_type3A_884 : vector<32x256xf32>
      %mul3A_978 = arith.constant 256 : i32
      %mul3A_979 = arith.muli %arg0, %mul3A_978 : i32
      %add3A_980 = arith.constant 192 : i32
      %add3A_981 = arith.addi %mul3A_979, %add3A_980 : i32
      %get3A_982 = arith.index_cast %add3A_981 : i32 to index
      %get3A_983 = arith.constant 0 : index
      %get3A_984 = vector.load %arg2[%get3A_982, %get3A_983] : memref<2048x16xf32, #tpu.memory_space<vmem>>, vector<32x16xf32>
      %slice3A_985 = vector.extract_strided_slice %get3A_984 {offsets = [0, 0], sizes = [32, 1], strides = [1, 1]} : vector<32x16xf32> to vector<32x1xf32>
      %slice3A_986 = vector.extract_strided_slice %get3A_984 {offsets = [0, 1], sizes = [32, 1], strides = [1, 1]} : vector<32x16xf32> to vector<32x1xf32>
      %slice3A_987 = vector.extract_strided_slice %get3A_984 {offsets = [0, 2], sizes = [32, 1], strides = [1, 1]} : vector<32x16xf32> to vector<32x1xf32>
      %slice3A_988 = vector.extract_strided_slice %get3A_984 {offsets = [0, 3], sizes = [32, 1], strides = [1, 1]} : vector<32x16xf32> to vector<32x1xf32>
      %slice3A_989 = vector.extract_strided_slice %get3A_984 {offsets = [0, 4], sizes = [32, 1], strides = [1, 1]} : vector<32x16xf32> to vector<32x1xf32>
      %slice3A_990 = vector.extract_strided_slice %get3A_984 {offsets = [0, 5], sizes = [32, 1], strides = [1, 1]} : vector<32x16xf32> to vector<32x1xf32>
      %slice3A_991 = vector.extract_strided_slice %get3A_984 {offsets = [0, 6], sizes = [32, 1], strides = [1, 1]} : vector<32x16xf32> to vector<32x1xf32>
      %slice3A_992 = vector.extract_strided_slice %get3A_984 {offsets = [0, 7], sizes = [32, 1], strides = [1, 1]} : vector<32x16xf32> to vector<32x1xf32>
      %slice3A_993 = vector.extract_strided_slice %get3A_984 {offsets = [0, 8], sizes = [32, 1], strides = [1, 1]} : vector<32x16xf32> to vector<32x1xf32>
      %slice3A_994 = vector.extract_strided_slice %get3A_984 {offsets = [0, 9], sizes = [32, 1], strides = [1, 1]} : vector<32x16xf32> to vector<32x1xf32>
      %slice3A_995 = vector.extract_strided_slice %get3A_984 {offsets = [0, 10], sizes = [32, 1], strides = [1, 1]} : vector<32x16xf32> to vector<32x1xf32>
      %eq3A_996 = vector.broadcast %slice3A_994 : vector<32x1xf32> to vector<32x256xf32>
      %eq3A_997 = vector.broadcast %slice3A_26 : vector<1x256xf32> to vector<32x256xf32>
      %eq3A_998 = arith.cmpf oeq, %eq3A_996, %eq3A_997 : vector<32x256xf32>
      %eq3A_999 = vector.broadcast %slice3A_994 : vector<32x1xf32> to vector<32x256xf32>
      %eq3A_1000 = vector.broadcast %slice3A_27 : vector<1x256xf32> to vector<32x256xf32>
      %eq3A_1001 = arith.cmpf oeq, %eq3A_999, %eq3A_1000 : vector<32x256xf32>
      %or3A_1002 = arith.ori %eq3A_998, %eq3A_1001 : vector<32x256xi1>
      %eq3A_1003 = vector.broadcast %slice3A_995 : vector<32x1xf32> to vector<32x256xf32>
      %eq3A_1004 = vector.broadcast %slice3A_26 : vector<1x256xf32> to vector<32x256xf32>
      %eq3A_1005 = arith.cmpf oeq, %eq3A_1003, %eq3A_1004 : vector<32x256xf32>
      %or3A_1006 = arith.ori %or3A_1002, %eq3A_1005 : vector<32x256xi1>
      %eq3A_1007 = vector.broadcast %slice3A_995 : vector<32x1xf32> to vector<32x256xf32>
      %eq3A_1008 = vector.broadcast %slice3A_27 : vector<1x256xf32> to vector<32x256xf32>
      %eq3A_1009 = arith.cmpf oeq, %eq3A_1007, %eq3A_1008 : vector<32x256xf32>
      %or3A_1010 = arith.ori %or3A_1006, %eq3A_1009 : vector<32x256xi1>
      %mul3A_1011 = arith.constant 256 : i32
      %mul3A_1012 = arith.muli %arg0, %mul3A_1011 : i32
      %add3A_1013 = arith.constant 192 : i32
      %add3A_1014 = arith.addi %mul3A_1012, %add3A_1013 : i32
      %iota3A_1015 = tpu.iota {dimensions = array<i32: 0>} : vector<32x1xi32>
      %add3A_1016 = vector.broadcast %add3A_1014 : i32 to vector<32x1xi32>
      %add3A_1017 = arith.addi %add3A_1016, %iota3A_1015 : vector<32x1xi32>
      %gt3A_1018 = vector.broadcast %add3A_30 : vector<1x256xi32> to vector<32x256xi32>
      %gt3A_1019 = vector.broadcast %add3A_1017 : vector<32x1xi32> to vector<32x256xi32>
      %gt3A_1020 = arith.cmpi sgt, %gt3A_1018, %gt3A_1019 : vector<32x256xi32>
      %sub3A_1021 = vector.broadcast %slice3A_991 : vector<32x1xf32> to vector<32x256xf32>
      %sub3A_1022 = vector.broadcast %slice3A_23 : vector<1x256xf32> to vector<32x256xf32>
      %sub3A_1023 = arith.subf %sub3A_1021, %sub3A_1022 : vector<32x256xf32>
      %sub3A_1024 = vector.broadcast %slice3A_992 : vector<32x1xf32> to vector<32x256xf32>
      %sub3A_1025 = vector.broadcast %slice3A_24 : vector<1x256xf32> to vector<32x256xf32>
      %sub3A_1026 = arith.subf %sub3A_1024, %sub3A_1025 : vector<32x256xf32>
      %mul3A_1027 = arith.mulf %sub3A_1023, %sub3A_1023 : vector<32x256xf32>
      %mul3A_1028 = arith.mulf %sub3A_1026, %sub3A_1026 : vector<32x256xf32>
      %add3A_1029 = arith.addf %mul3A_1027, %mul3A_1028 : vector<32x256xf32>
      %add3A_1030 = vector.broadcast %slice3A_993 : vector<32x1xf32> to vector<32x256xf32>
      %add3A_1031 = vector.broadcast %slice3A_25 : vector<1x256xf32> to vector<32x256xf32>
      %add3A_1032 = arith.addf %add3A_1030, %add3A_1031 : vector<32x256xf32>
      %add3A_1033 = arith.constant 1.500000e-01 : f32
      %add3A_1034 = vector.broadcast %add3A_1033 : f32 to vector<32x256xf32>
      %add3A_1035 = arith.addf %add3A_1032, %add3A_1034 : vector<32x256xf32>
      %not3A_1036 = arith.constant dense<true> : vector<32x256xi1>
      %not3A_1037 = arith.xori %or3A_1010, %not3A_1036 : vector<32x256xi1>
      %and3A_1038 = arith.andi %not3A_1037, %gt3A_1020 : vector<32x256xi1>
      %mul3A_1039 = arith.mulf %add3A_1035, %add3A_1035 : vector<32x256xf32>
      %lt3A_1040 = arith.cmpf olt, %add3A_1029, %mul3A_1039 : vector<32x256xf32>
      %and3A_1041 = arith.andi %and3A_1038, %lt3A_1040 : vector<32x256xi1>
      %convert_element_type3A_1042 = arith.extui %and3A_1041 : vector<32x256xi1> to vector<32x256xi32>
      %convert_element_type3A_1043 = arith.sitofp %convert_element_type3A_1042 : vector<32x256xi32> to vector<32x256xf32>
      %mul3A_1044 = vector.broadcast %slice3A_987 : vector<32x1xf32> to vector<32x256xf32>
      %mul3A_1045 = vector.broadcast %slice3A_19 : vector<1x256xf32> to vector<32x256xf32>
      %mul3A_1046 = arith.mulf %mul3A_1044, %mul3A_1045 : vector<32x256xf32>
      %mul3A_1047 = vector.broadcast %slice3A_988 : vector<32x1xf32> to vector<32x256xf32>
      %mul3A_1048 = vector.broadcast %slice3A_20 : vector<1x256xf32> to vector<32x256xf32>
      %mul3A_1049 = arith.mulf %mul3A_1047, %mul3A_1048 : vector<32x256xf32>
      %add3A_1050 = arith.addf %mul3A_1046, %mul3A_1049 : vector<32x256xf32>
      %sub3A_1051 = vector.broadcast %slice3A_985 : vector<32x1xf32> to vector<32x256xf32>
      %sub3A_1052 = vector.broadcast %slice3A : vector<1x256xf32> to vector<32x256xf32>
      %sub3A_1053 = arith.subf %sub3A_1051, %sub3A_1052 : vector<32x256xf32>
      %sub3A_1054 = vector.broadcast %slice3A_986 : vector<32x1xf32> to vector<32x256xf32>
      %sub3A_1055 = vector.broadcast %slice3A_18 : vector<1x256xf32> to vector<32x256xf32>
      %sub3A_1056 = arith.subf %sub3A_1054, %sub3A_1055 : vector<32x256xf32>
      %mul3A_1057 = vector.broadcast %slice3A_987 : vector<32x1xf32> to vector<32x256xf32>
      %mul3A_1058 = arith.mulf %mul3A_1057, %sub3A_1053 : vector<32x256xf32>
      %mul3A_1059 = vector.broadcast %slice3A_988 : vector<32x1xf32> to vector<32x256xf32>
      %mul3A_1060 = arith.mulf %mul3A_1059, %sub3A_1056 : vector<32x256xf32>
      %add3A_1061 = arith.addf %mul3A_1058, %mul3A_1060 : vector<32x256xf32>
      %mul3A_1062 = vector.broadcast %slice3A_19 : vector<1x256xf32> to vector<32x256xf32>
      %mul3A_1063 = arith.mulf %mul3A_1062, %sub3A_1053 : vector<32x256xf32>
      %mul3A_1064 = vector.broadcast %slice3A_20 : vector<1x256xf32> to vector<32x256xf32>
      %mul3A_1065 = arith.mulf %mul3A_1064, %sub3A_1056 : vector<32x256xf32>
      %add3A_1066 = arith.addf %mul3A_1063, %mul3A_1065 : vector<32x256xf32>
      %mul3A_1067 = vector.broadcast %slice3A_989 : vector<32x1xf32> to vector<32x256xf32>
      %mul3A_1068 = vector.broadcast %slice3A_21 : vector<1x256xf32> to vector<32x256xf32>
      %mul3A_1069 = arith.mulf %mul3A_1067, %mul3A_1068 : vector<32x256xf32>
      %mul3A_1070 = arith.mulf %add3A_1050, %add3A_1050 : vector<32x256xf32>
      %sub3A_1071 = arith.subf %mul3A_1069, %mul3A_1070 : vector<32x256xf32>
      %max3A_1072 = arith.constant 9.99999996E-13 : f32
      %max3A_1073 = vector.broadcast %max3A_1072 : f32 to vector<32x256xf32>
      %max3A_1074 = arith.maximumf %sub3A_1071, %max3A_1073 : vector<32x256xf32>
      %div3A_1075 = arith.constant 1.000000e+00 : f32
      %div3A_1076 = vector.broadcast %div3A_1075 : f32 to vector<32x256xf32>
      %div3A_1077 = arith.divf %div3A_1076, %max3A_1074 : vector<32x256xf32>
      %mul3A_1078 = arith.mulf %add3A_1050, %add3A_1066 : vector<32x256xf32>
      %mul3A_1079 = vector.broadcast %slice3A_21 : vector<1x256xf32> to vector<32x256xf32>
      %mul3A_1080 = arith.mulf %add3A_1061, %mul3A_1079 : vector<32x256xf32>
      %sub3A_1081 = arith.subf %mul3A_1078, %mul3A_1080 : vector<32x256xf32>
      %mul3A_1082 = arith.mulf %sub3A_1081, %div3A_1077 : vector<32x256xf32>
      %jit3A_1083 = arith.constant 0.000000e+00 : f32
      %jit3A_1084 = arith.constant 1.000000e+00 : f32
      %max3A_1085 = vector.broadcast %jit3A_1083 : f32 to vector<32x256xf32>
      %max3A_1086 = arith.maximumf %max3A_1085, %mul3A_1082 : vector<32x256xf32>
      %min3A_1087 = vector.broadcast %jit3A_1084 : f32 to vector<32x256xf32>
      %min3A_1088 = arith.minimumf %min3A_1087, %max3A_1086 : vector<32x256xf32>
      %mul3A_1089 = arith.mulf %add3A_1050, %min3A_1088 : vector<32x256xf32>
      %add3A_1090 = arith.addf %mul3A_1089, %add3A_1066 : vector<32x256xf32>
      %mul3A_1091 = vector.broadcast %slice3A_22 : vector<1x256xf32> to vector<32x256xf32>
      %mul3A_1092 = arith.mulf %add3A_1090, %mul3A_1091 : vector<32x256xf32>
      %jit3A_1093 = arith.constant 0.000000e+00 : f32
      %jit3A_1094 = arith.constant 1.000000e+00 : f32
      %max3A_1095 = vector.broadcast %jit3A_1093 : f32 to vector<32x256xf32>
      %max3A_1096 = arith.maximumf %max3A_1095, %mul3A_1092 : vector<32x256xf32>
      %min3A_1097 = vector.broadcast %jit3A_1094 : f32 to vector<32x256xf32>
      %min3A_1098 = arith.minimumf %min3A_1097, %max3A_1096 : vector<32x256xf32>
      %mul3A_1099 = arith.mulf %add3A_1050, %min3A_1098 : vector<32x256xf32>
      %sub3A_1100 = arith.subf %mul3A_1099, %add3A_1061 : vector<32x256xf32>
      %mul3A_1101 = vector.broadcast %slice3A_990 : vector<32x1xf32> to vector<32x256xf32>
      %mul3A_1102 = arith.mulf %sub3A_1100, %mul3A_1101 : vector<32x256xf32>
      %jit3A_1103 = arith.constant 0.000000e+00 : f32
      %jit3A_1104 = arith.constant 1.000000e+00 : f32
      %max3A_1105 = vector.broadcast %jit3A_1103 : f32 to vector<32x256xf32>
      %max3A_1106 = arith.maximumf %max3A_1105, %mul3A_1102 : vector<32x256xf32>
      %min3A_1107 = vector.broadcast %jit3A_1104 : f32 to vector<32x256xf32>
      %min3A_1108 = arith.minimumf %min3A_1107, %max3A_1106 : vector<32x256xf32>
      %mul3A_1109 = vector.broadcast %slice3A_987 : vector<32x1xf32> to vector<32x256xf32>
      %mul3A_1110 = arith.mulf %min3A_1108, %mul3A_1109 : vector<32x256xf32>
      %add3A_1111 = arith.addf %sub3A_1053, %mul3A_1110 : vector<32x256xf32>
      %mul3A_1112 = vector.broadcast %slice3A_19 : vector<1x256xf32> to vector<32x256xf32>
      %mul3A_1113 = arith.mulf %min3A_1098, %mul3A_1112 : vector<32x256xf32>
      %sub3A_1114 = arith.subf %add3A_1111, %mul3A_1113 : vector<32x256xf32>
      %mul3A_1115 = vector.broadcast %slice3A_988 : vector<32x1xf32> to vector<32x256xf32>
      %mul3A_1116 = arith.mulf %min3A_1108, %mul3A_1115 : vector<32x256xf32>
      %add3A_1117 = arith.addf %sub3A_1056, %mul3A_1116 : vector<32x256xf32>
      %mul3A_1118 = vector.broadcast %slice3A_20 : vector<1x256xf32> to vector<32x256xf32>
      %mul3A_1119 = arith.mulf %min3A_1098, %mul3A_1118 : vector<32x256xf32>
      %sub3A_1120 = arith.subf %add3A_1117, %mul3A_1119 : vector<32x256xf32>
      %mul3A_1121 = arith.mulf %sub3A_1114, %sub3A_1114 : vector<32x256xf32>
      %mul3A_1122 = arith.mulf %sub3A_1120, %sub3A_1120 : vector<32x256xf32>
      %add3A_1123 = arith.addf %mul3A_1121, %mul3A_1122 : vector<32x256xf32>
      %max3A_1124 = arith.constant 1.000000e-24 : f32
      %max3A_1125 = vector.broadcast %max3A_1124 : f32 to vector<32x256xf32>
      %max3A_1126 = arith.maximumf %add3A_1123, %max3A_1125 : vector<32x256xf32>
      %sqrt3A_1127 = math.sqrt %max3A_1126 : vector<32x256xf32>
      %sub3A_1128 = arith.constant 1.000000e-03 : f32
      %sub3A_1129 = vector.broadcast %sub3A_1128 : f32 to vector<32x256xf32>
      %sub3A_1130 = arith.subf %sub3A_1129, %sqrt3A_1127 : vector<32x256xf32>
      %max3A_1131 = arith.constant 0.000000e+00 : f32
      %max3A_1132 = vector.broadcast %max3A_1131 : f32 to vector<32x256xf32>
      %max3A_1133 = arith.maximumf %sub3A_1130, %max3A_1132 : vector<32x256xf32>
      %mul3A_1134 = arith.mulf %max3A_1133, %convert_element_type3A_1043 : vector<32x256xf32>
      %add3A_1135 = arith.addf %add3A_976, %mul3A_1134 : vector<32x256xf32>
      %add3A_1136 = arith.addf %add3A_977, %convert_element_type3A_1043 : vector<32x256xf32>
      %mul3A_1137 = arith.constant 256 : i32
      %mul3A_1138 = arith.muli %arg0, %mul3A_1137 : i32
      %add3A_1139 = arith.constant 224 : i32
      %add3A_1140 = arith.addi %mul3A_1138, %add3A_1139 : i32
      %get3A_1141 = arith.index_cast %add3A_1140 : i32 to index
      %get3A_1142 = arith.constant 0 : index
      %get3A_1143 = vector.load %arg2[%get3A_1141, %get3A_1142] : memref<2048x16xf32, #tpu.memory_space<vmem>>, vector<32x16xf32>
      %slice3A_1144 = vector.extract_strided_slice %get3A_1143 {offsets = [0, 0], sizes = [32, 1], strides = [1, 1]} : vector<32x16xf32> to vector<32x1xf32>
      %slice3A_1145 = vector.extract_strided_slice %get3A_1143 {offsets = [0, 1], sizes = [32, 1], strides = [1, 1]} : vector<32x16xf32> to vector<32x1xf32>
      %slice3A_1146 = vector.extract_strided_slice %get3A_1143 {offsets = [0, 2], sizes = [32, 1], strides = [1, 1]} : vector<32x16xf32> to vector<32x1xf32>
      %slice3A_1147 = vector.extract_strided_slice %get3A_1143 {offsets = [0, 3], sizes = [32, 1], strides = [1, 1]} : vector<32x16xf32> to vector<32x1xf32>
      %slice3A_1148 = vector.extract_strided_slice %get3A_1143 {offsets = [0, 4], sizes = [32, 1], strides = [1, 1]} : vector<32x16xf32> to vector<32x1xf32>
      %slice3A_1149 = vector.extract_strided_slice %get3A_1143 {offsets = [0, 5], sizes = [32, 1], strides = [1, 1]} : vector<32x16xf32> to vector<32x1xf32>
      %slice3A_1150 = vector.extract_strided_slice %get3A_1143 {offsets = [0, 6], sizes = [32, 1], strides = [1, 1]} : vector<32x16xf32> to vector<32x1xf32>
      %slice3A_1151 = vector.extract_strided_slice %get3A_1143 {offsets = [0, 7], sizes = [32, 1], strides = [1, 1]} : vector<32x16xf32> to vector<32x1xf32>
      %slice3A_1152 = vector.extract_strided_slice %get3A_1143 {offsets = [0, 8], sizes = [32, 1], strides = [1, 1]} : vector<32x16xf32> to vector<32x1xf32>
      %slice3A_1153 = vector.extract_strided_slice %get3A_1143 {offsets = [0, 9], sizes = [32, 1], strides = [1, 1]} : vector<32x16xf32> to vector<32x1xf32>
      %slice3A_1154 = vector.extract_strided_slice %get3A_1143 {offsets = [0, 10], sizes = [32, 1], strides = [1, 1]} : vector<32x16xf32> to vector<32x1xf32>
      %eq3A_1155 = vector.broadcast %slice3A_1153 : vector<32x1xf32> to vector<32x256xf32>
      %eq3A_1156 = vector.broadcast %slice3A_26 : vector<1x256xf32> to vector<32x256xf32>
      %eq3A_1157 = arith.cmpf oeq, %eq3A_1155, %eq3A_1156 : vector<32x256xf32>
      %eq3A_1158 = vector.broadcast %slice3A_1153 : vector<32x1xf32> to vector<32x256xf32>
      %eq3A_1159 = vector.broadcast %slice3A_27 : vector<1x256xf32> to vector<32x256xf32>
      %eq3A_1160 = arith.cmpf oeq, %eq3A_1158, %eq3A_1159 : vector<32x256xf32>
      %or3A_1161 = arith.ori %eq3A_1157, %eq3A_1160 : vector<32x256xi1>
      %eq3A_1162 = vector.broadcast %slice3A_1154 : vector<32x1xf32> to vector<32x256xf32>
      %eq3A_1163 = vector.broadcast %slice3A_26 : vector<1x256xf32> to vector<32x256xf32>
      %eq3A_1164 = arith.cmpf oeq, %eq3A_1162, %eq3A_1163 : vector<32x256xf32>
      %or3A_1165 = arith.ori %or3A_1161, %eq3A_1164 : vector<32x256xi1>
      %eq3A_1166 = vector.broadcast %slice3A_1154 : vector<32x1xf32> to vector<32x256xf32>
      %eq3A_1167 = vector.broadcast %slice3A_27 : vector<1x256xf32> to vector<32x256xf32>
      %eq3A_1168 = arith.cmpf oeq, %eq3A_1166, %eq3A_1167 : vector<32x256xf32>
      %or3A_1169 = arith.ori %or3A_1165, %eq3A_1168 : vector<32x256xi1>
      %mul3A_1170 = arith.constant 256 : i32
      %mul3A_1171 = arith.muli %arg0, %mul3A_1170 : i32
      %add3A_1172 = arith.constant 224 : i32
      %add3A_1173 = arith.addi %mul3A_1171, %add3A_1172 : i32
      %iota3A_1174 = tpu.iota {dimensions = array<i32: 0>} : vector<32x1xi32>
      %add3A_1175 = vector.broadcast %add3A_1173 : i32 to vector<32x1xi32>
      %add3A_1176 = arith.addi %add3A_1175, %iota3A_1174 : vector<32x1xi32>
      %gt3A_1177 = vector.broadcast %add3A_30 : vector<1x256xi32> to vector<32x256xi32>
      %gt3A_1178 = vector.broadcast %add3A_1176 : vector<32x1xi32> to vector<32x256xi32>
      %gt3A_1179 = arith.cmpi sgt, %gt3A_1177, %gt3A_1178 : vector<32x256xi32>
      %sub3A_1180 = vector.broadcast %slice3A_1150 : vector<32x1xf32> to vector<32x256xf32>
      %sub3A_1181 = vector.broadcast %slice3A_23 : vector<1x256xf32> to vector<32x256xf32>
      %sub3A_1182 = arith.subf %sub3A_1180, %sub3A_1181 : vector<32x256xf32>
      %sub3A_1183 = vector.broadcast %slice3A_1151 : vector<32x1xf32> to vector<32x256xf32>
      %sub3A_1184 = vector.broadcast %slice3A_24 : vector<1x256xf32> to vector<32x256xf32>
      %sub3A_1185 = arith.subf %sub3A_1183, %sub3A_1184 : vector<32x256xf32>
      %mul3A_1186 = arith.mulf %sub3A_1182, %sub3A_1182 : vector<32x256xf32>
      %mul3A_1187 = arith.mulf %sub3A_1185, %sub3A_1185 : vector<32x256xf32>
      %add3A_1188 = arith.addf %mul3A_1186, %mul3A_1187 : vector<32x256xf32>
      %add3A_1189 = vector.broadcast %slice3A_1152 : vector<32x1xf32> to vector<32x256xf32>
      %add3A_1190 = vector.broadcast %slice3A_25 : vector<1x256xf32> to vector<32x256xf32>
      %add3A_1191 = arith.addf %add3A_1189, %add3A_1190 : vector<32x256xf32>
      %add3A_1192 = arith.constant 1.500000e-01 : f32
      %add3A_1193 = vector.broadcast %add3A_1192 : f32 to vector<32x256xf32>
      %add3A_1194 = arith.addf %add3A_1191, %add3A_1193 : vector<32x256xf32>
      %not3A_1195 = arith.constant dense<true> : vector<32x256xi1>
      %not3A_1196 = arith.xori %or3A_1169, %not3A_1195 : vector<32x256xi1>
      %and3A_1197 = arith.andi %not3A_1196, %gt3A_1179 : vector<32x256xi1>
      %mul3A_1198 = arith.mulf %add3A_1194, %add3A_1194 : vector<32x256xf32>
      %lt3A_1199 = arith.cmpf olt, %add3A_1188, %mul3A_1198 : vector<32x256xf32>
      %and3A_1200 = arith.andi %and3A_1197, %lt3A_1199 : vector<32x256xi1>
      %convert_element_type3A_1201 = arith.extui %and3A_1200 : vector<32x256xi1> to vector<32x256xi32>
      %convert_element_type3A_1202 = arith.sitofp %convert_element_type3A_1201 : vector<32x256xi32> to vector<32x256xf32>
      %mul3A_1203 = vector.broadcast %slice3A_1146 : vector<32x1xf32> to vector<32x256xf32>
      %mul3A_1204 = vector.broadcast %slice3A_19 : vector<1x256xf32> to vector<32x256xf32>
      %mul3A_1205 = arith.mulf %mul3A_1203, %mul3A_1204 : vector<32x256xf32>
      %mul3A_1206 = vector.broadcast %slice3A_1147 : vector<32x1xf32> to vector<32x256xf32>
      %mul3A_1207 = vector.broadcast %slice3A_20 : vector<1x256xf32> to vector<32x256xf32>
      %mul3A_1208 = arith.mulf %mul3A_1206, %mul3A_1207 : vector<32x256xf32>
      %add3A_1209 = arith.addf %mul3A_1205, %mul3A_1208 : vector<32x256xf32>
      %sub3A_1210 = vector.broadcast %slice3A_1144 : vector<32x1xf32> to vector<32x256xf32>
      %sub3A_1211 = vector.broadcast %slice3A : vector<1x256xf32> to vector<32x256xf32>
      %sub3A_1212 = arith.subf %sub3A_1210, %sub3A_1211 : vector<32x256xf32>
      %sub3A_1213 = vector.broadcast %slice3A_1145 : vector<32x1xf32> to vector<32x256xf32>
      %sub3A_1214 = vector.broadcast %slice3A_18 : vector<1x256xf32> to vector<32x256xf32>
      %sub3A_1215 = arith.subf %sub3A_1213, %sub3A_1214 : vector<32x256xf32>
      %mul3A_1216 = vector.broadcast %slice3A_1146 : vector<32x1xf32> to vector<32x256xf32>
      %mul3A_1217 = arith.mulf %mul3A_1216, %sub3A_1212 : vector<32x256xf32>
      %mul3A_1218 = vector.broadcast %slice3A_1147 : vector<32x1xf32> to vector<32x256xf32>
      %mul3A_1219 = arith.mulf %mul3A_1218, %sub3A_1215 : vector<32x256xf32>
      %add3A_1220 = arith.addf %mul3A_1217, %mul3A_1219 : vector<32x256xf32>
      %mul3A_1221 = vector.broadcast %slice3A_19 : vector<1x256xf32> to vector<32x256xf32>
      %mul3A_1222 = arith.mulf %mul3A_1221, %sub3A_1212 : vector<32x256xf32>
      %mul3A_1223 = vector.broadcast %slice3A_20 : vector<1x256xf32> to vector<32x256xf32>
      %mul3A_1224 = arith.mulf %mul3A_1223, %sub3A_1215 : vector<32x256xf32>
      %add3A_1225 = arith.addf %mul3A_1222, %mul3A_1224 : vector<32x256xf32>
      %mul3A_1226 = vector.broadcast %slice3A_1148 : vector<32x1xf32> to vector<32x256xf32>
      %mul3A_1227 = vector.broadcast %slice3A_21 : vector<1x256xf32> to vector<32x256xf32>
      %mul3A_1228 = arith.mulf %mul3A_1226, %mul3A_1227 : vector<32x256xf32>
      %mul3A_1229 = arith.mulf %add3A_1209, %add3A_1209 : vector<32x256xf32>
      %sub3A_1230 = arith.subf %mul3A_1228, %mul3A_1229 : vector<32x256xf32>
      %max3A_1231 = arith.constant 9.99999996E-13 : f32
      %max3A_1232 = vector.broadcast %max3A_1231 : f32 to vector<32x256xf32>
      %max3A_1233 = arith.maximumf %sub3A_1230, %max3A_1232 : vector<32x256xf32>
      %div3A_1234 = arith.constant 1.000000e+00 : f32
      %div3A_1235 = vector.broadcast %div3A_1234 : f32 to vector<32x256xf32>
      %div3A_1236 = arith.divf %div3A_1235, %max3A_1233 : vector<32x256xf32>
      %mul3A_1237 = arith.mulf %add3A_1209, %add3A_1225 : vector<32x256xf32>
      %mul3A_1238 = vector.broadcast %slice3A_21 : vector<1x256xf32> to vector<32x256xf32>
      %mul3A_1239 = arith.mulf %add3A_1220, %mul3A_1238 : vector<32x256xf32>
      %sub3A_1240 = arith.subf %mul3A_1237, %mul3A_1239 : vector<32x256xf32>
      %mul3A_1241 = arith.mulf %sub3A_1240, %div3A_1236 : vector<32x256xf32>
      %jit3A_1242 = arith.constant 0.000000e+00 : f32
      %jit3A_1243 = arith.constant 1.000000e+00 : f32
      %max3A_1244 = vector.broadcast %jit3A_1242 : f32 to vector<32x256xf32>
      %max3A_1245 = arith.maximumf %max3A_1244, %mul3A_1241 : vector<32x256xf32>
      %min3A_1246 = vector.broadcast %jit3A_1243 : f32 to vector<32x256xf32>
      %min3A_1247 = arith.minimumf %min3A_1246, %max3A_1245 : vector<32x256xf32>
      %mul3A_1248 = arith.mulf %add3A_1209, %min3A_1247 : vector<32x256xf32>
      %add3A_1249 = arith.addf %mul3A_1248, %add3A_1225 : vector<32x256xf32>
      %mul3A_1250 = vector.broadcast %slice3A_22 : vector<1x256xf32> to vector<32x256xf32>
      %mul3A_1251 = arith.mulf %add3A_1249, %mul3A_1250 : vector<32x256xf32>
      %jit3A_1252 = arith.constant 0.000000e+00 : f32
      %jit3A_1253 = arith.constant 1.000000e+00 : f32
      %max3A_1254 = vector.broadcast %jit3A_1252 : f32 to vector<32x256xf32>
      %max3A_1255 = arith.maximumf %max3A_1254, %mul3A_1251 : vector<32x256xf32>
      %min3A_1256 = vector.broadcast %jit3A_1253 : f32 to vector<32x256xf32>
      %min3A_1257 = arith.minimumf %min3A_1256, %max3A_1255 : vector<32x256xf32>
      %mul3A_1258 = arith.mulf %add3A_1209, %min3A_1257 : vector<32x256xf32>
      %sub3A_1259 = arith.subf %mul3A_1258, %add3A_1220 : vector<32x256xf32>
      %mul3A_1260 = vector.broadcast %slice3A_1149 : vector<32x1xf32> to vector<32x256xf32>
      %mul3A_1261 = arith.mulf %sub3A_1259, %mul3A_1260 : vector<32x256xf32>
      %jit3A_1262 = arith.constant 0.000000e+00 : f32
      %jit3A_1263 = arith.constant 1.000000e+00 : f32
      %max3A_1264 = vector.broadcast %jit3A_1262 : f32 to vector<32x256xf32>
      %max3A_1265 = arith.maximumf %max3A_1264, %mul3A_1261 : vector<32x256xf32>
      %min3A_1266 = vector.broadcast %jit3A_1263 : f32 to vector<32x256xf32>
      %min3A_1267 = arith.minimumf %min3A_1266, %max3A_1265 : vector<32x256xf32>
      %mul3A_1268 = vector.broadcast %slice3A_1146 : vector<32x1xf32> to vector<32x256xf32>
      %mul3A_1269 = arith.mulf %min3A_1267, %mul3A_1268 : vector<32x256xf32>
      %add3A_1270 = arith.addf %sub3A_1212, %mul3A_1269 : vector<32x256xf32>
      %mul3A_1271 = vector.broadcast %slice3A_19 : vector<1x256xf32> to vector<32x256xf32>
      %mul3A_1272 = arith.mulf %min3A_1257, %mul3A_1271 : vector<32x256xf32>
      %sub3A_1273 = arith.subf %add3A_1270, %mul3A_1272 : vector<32x256xf32>
      %mul3A_1274 = vector.broadcast %slice3A_1147 : vector<32x1xf32> to vector<32x256xf32>
      %mul3A_1275 = arith.mulf %min3A_1267, %mul3A_1274 : vector<32x256xf32>
      %add3A_1276 = arith.addf %sub3A_1215, %mul3A_1275 : vector<32x256xf32>
      %mul3A_1277 = vector.broadcast %slice3A_20 : vector<1x256xf32> to vector<32x256xf32>
      %mul3A_1278 = arith.mulf %min3A_1257, %mul3A_1277 : vector<32x256xf32>
      %sub3A_1279 = arith.subf %add3A_1276, %mul3A_1278 : vector<32x256xf32>
      %mul3A_1280 = arith.mulf %sub3A_1273, %sub3A_1273 : vector<32x256xf32>
      %mul3A_1281 = arith.mulf %sub3A_1279, %sub3A_1279 : vector<32x256xf32>
      %add3A_1282 = arith.addf %mul3A_1280, %mul3A_1281 : vector<32x256xf32>
      %max3A_1283 = arith.constant 1.000000e-24 : f32
      %max3A_1284 = vector.broadcast %max3A_1283 : f32 to vector<32x256xf32>
      %max3A_1285 = arith.maximumf %add3A_1282, %max3A_1284 : vector<32x256xf32>
      %sqrt3A_1286 = math.sqrt %max3A_1285 : vector<32x256xf32>
      %sub3A_1287 = arith.constant 1.000000e-03 : f32
      %sub3A_1288 = vector.broadcast %sub3A_1287 : f32 to vector<32x256xf32>
      %sub3A_1289 = arith.subf %sub3A_1288, %sqrt3A_1286 : vector<32x256xf32>
      %max3A_1290 = arith.constant 0.000000e+00 : f32
      %max3A_1291 = vector.broadcast %max3A_1290 : f32 to vector<32x256xf32>
      %max3A_1292 = arith.maximumf %sub3A_1289, %max3A_1291 : vector<32x256xf32>
      %mul3A_1293 = arith.mulf %max3A_1292, %convert_element_type3A_1202 : vector<32x256xf32>
      %add3A_1294 = arith.addf %add3A_1135, %mul3A_1293 : vector<32x256xf32>
      %add3A_1295 = arith.addf %add3A_1136, %convert_element_type3A_1202 : vector<32x256xf32>
      %get3A_1296 = arith.constant 0 : index
      %get3A_1297 = arith.constant 0 : index
      %get3A_1298 = vector.load %arg5[%get3A_1296, %get3A_1297] : memref<32x256xf32, #tpu.memory_space<vmem>>, vector<32x256xf32>
      %add3A_1299 = arith.addf %get3A_1298, %add3A_1294 : vector<32x256xf32>
      %swap3A = arith.constant 0 : index
      %swap3A_1300 = arith.constant 0 : index
      %swap3A_1301 = vector.load %arg5[%swap3A, %swap3A_1300] : memref<32x256xf32, #tpu.memory_space<vmem>>, vector<32x256xf32>
      tpu.vector_store %arg5[%swap3A, %swap3A_1300], %add3A_1299 {strides = array<i32>} : memref<32x256xf32, #tpu.memory_space<vmem>>, vector<32x256xf32>,
      %get3A_1302 = arith.constant 0 : index
      %get3A_1303 = arith.constant 0 : index
      %get3A_1304 = vector.load %arg6[%get3A_1302, %get3A_1303] : memref<32x256xf32, #tpu.memory_space<vmem>>, vector<32x256xf32>
      %add3A_1305 = arith.addf %get3A_1304, %add3A_1295 : vector<32x256xf32>
      %swap3A_1306 = arith.constant 0 : index
      %swap3A_1307 = arith.constant 0 : index
      %swap3A_1308 = vector.load %arg6[%swap3A_1306, %swap3A_1307] : memref<32x256xf32, #tpu.memory_space<vmem>>, vector<32x256xf32>
      tpu.vector_store %arg6[%swap3A_1306, %swap3A_1307], %add3A_1305 {strides = array<i32>} : memref<32x256xf32, #tpu.memory_space<vmem>>, vector<32x256xf32>,
    } else {
    }
    %eq3A_7 = arith.constant 7 : i32
    %eq3A_8 = arith.cmpi eq, %arg0, %eq3A_7 : i32
    %eq3A_9 = arith.constant 7 : i32
    %eq3A_10 = arith.cmpi eq, %arg1, %eq3A_9 : i32
    %and3A_11 = arith.andi %eq3A_8, %eq3A_10 : i1
    %convert_element_type3A_12 = arith.extui %and3A_11 : i1 to i32
    %cond3A_13 = arith.constant 0 : i32
    %cond3A_14 = arith.cmpi ne, %convert_element_type3A_12, %cond3A_13 : i32
    scf.if %cond3A_14 {
      %get3A = arith.constant 0 : index
      %get3A_15 = arith.constant 0 : index
      %get3A_16 = vector.load %arg5[%get3A, %get3A_15] : memref<32x256xf32, #tpu.memory_space<vmem>>, vector<32x256xf32>
      %reduce_sum3A = vector.shape_cast %get3A_16 : vector<32x256xf32> to vector<1x32x256xf32>
      %reduce_sum3A_17 = arith.constant dense<0.000000e+00> : vector<1xf32>
      %reduce_sum3A_18 = vector.multi_reduction <add>, %reduce_sum3A, %reduce_sum3A_17 [1, 2] : vector<1x32x256xf32> to vector<1xf32>
      %reduce_sum3A_19 = vector.shape_cast %reduce_sum3A_18 : vector<1xf32> to vector<1x1x1xf32>
      %reduce_sum3A_20 = vector.extract %reduce_sum3A_19[0, 0, 0] : f32 from vector<1x1x1xf32>
      %get3A_21 = arith.constant 0 : index
      %get3A_22 = arith.constant 0 : index
      %get3A_23 = vector.load %arg6[%get3A_21, %get3A_22] : memref<32x256xf32, #tpu.memory_space<vmem>>, vector<32x256xf32>
      %reduce_sum3A_24 = vector.shape_cast %get3A_23 : vector<32x256xf32> to vector<1x32x256xf32>
      %reduce_sum3A_25 = arith.constant dense<0.000000e+00> : vector<1xf32>
      %reduce_sum3A_26 = vector.multi_reduction <add>, %reduce_sum3A_24, %reduce_sum3A_25 [1, 2] : vector<1x32x256xf32> to vector<1xf32>
      %reduce_sum3A_27 = vector.shape_cast %reduce_sum3A_26 : vector<1xf32> to vector<1x1x1xf32>
      %reduce_sum3A_28 = vector.extract %reduce_sum3A_27[0, 0, 0] : f32 from vector<1x1x1xf32>
      %gt3A = arith.constant 0.000000e+00 : f32
      %gt3A_29 = arith.cmpf ogt, %reduce_sum3A_28, %gt3A : f32
      %max3A = arith.constant 1.000000e+00 : f32
      %max3A_30 = arith.maximumf %reduce_sum3A_28, %max3A : f32
      %div3A = arith.divf %reduce_sum3A_20, %max3A_30 : f32
      %jit3A = arith.constant 0.000000e+00 : f32
      %select_n3A = arith.select %gt3A_29, %div3A, %jit3A : f32
      %reshape3A = vector.broadcast %select_n3A : f32 to vector<1x1xf32>
      %swap3A = arith.constant 0 : index
      %swap3A_31 = arith.constant 0 : index
      %swap3A_32 = vector.load %arg3[%swap3A, %swap3A_31] : memref<1x1xf32, #tpu.memory_space<vmem>>, vector<1x1xf32>
      tpu.vector_store %arg3[%swap3A, %swap3A_31], %reshape3A {strides = array<i32>} : memref<1x1xf32, #tpu.memory_space<vmem>>, vector<1x1xf32>,
    } else {
    }
    return
  }
  func.func @transform_0(%arg0: i32, %arg1: i32) -> (i32, i32) {
    %c0_i32 = arith.constant 0 : i32
    %c0_i32_0 = arith.constant 0 : i32
    %c0_i32_1 = arith.constant 0 : i32
    return %c0_i32, %c0_i32_0 : i32, i32
  }
  func.func @transform_1(%arg0: i32, %arg1: i32) -> (i32, i32) {
    %c0_i32 = arith.constant 0 : i32
    %c0_i32_0 = arith.constant 0 : i32
    %c0_i32_1 = arith.constant 0 : i32
    return %c0_i32, %c0_i32_0 : i32, i32
  }
}

</mosaic_0001>

<sc_bundles>
// kernel: kernel.4.cloned.1.call-start
scs
__scs_entry_jumppad:
0x0: {  	(pc) =	sbr.rel $0x88, $3  }
0x1: {  	(tag) =	ssettag $0x0;
	lr =	simm.s32 $0x1  }
0x2: {  	[smem:$0x3F9F] =	sst lr;
	_ =	strace $0xD0000000  }
0x3: {  	_ = 	snop  }
0x4: {  	_ = 	snop  }
0x5: {  	_ = 	snop  }
0x6: {  	_ = 	snop  }
0x7: {  	_ = 	snop  }
__scs_overlays_trampoline_lowered:
0x8: {  	[smem:$0x3FAE] =	sst s0  }
0x9: {  	[smem:$0x3FAF] =	sst s1  }
0xa: {  	[smem:$0x3FB0] =	sst s2  }
0xb: {  	[smem:$0x3FB1] =	sst s3  }
0xc: {  	[smem:$0x3FB2] =	sst s4  }
0xd: {  	[smem:$0x3FB3] =	sst s5  }
0xe: {  	[smem:$0x3FB4] =	sst s6  }
0xf: {  	[smem:$0x3FB5] =	sst s7  }
0x10: {  	[smem:$0x3FB6] =	sst s8  }
0x11: {  	[smem:$0x3FB7] =	sst s9;
	s0 =	simm.s32 @!p0 $0x0  }
0x12: {  	s1 =	sld [smem:$0x3F9D];
	s0 =	simm.s32 @p0 $0x1  }
0x13: {  	[smem:$0x3FB8] =	sst s0;
	s0 =	simm.s32 @!p1 $0x0  }
0x14: {  	s2 =	sld [smem:$0x3F9C];
	s0 =	simm.s32 @p1 $0x1  }
0x15: {  	[smem:$0x3FB9] =	sst s0;
	s0 =	simm.s32 @!p2 $0x0  }
0x16: {  	s3 =	sld [smem:$0x3FDB];
	s0 =	simm.s32 @p2 $0x1  }
0x17: {  	s4 =	simm.s32 $0x1BF5;
	[smem:$0x3FBB] =	sst s0  }
0x18: {  	s0 =	sld [smem:$0x3F9E];
	_ =	swait.ge [sflag:s4], $0x0  }
0x19: {  	s7 =	sld [smem:$0x3F9F]  }
0x1a: {  	s8 =	sadd.s32 $0xFFFFE003, lr  }
0x1b: {  	s9 =	sadd.s32 $0xFFFFFEF7, lr;
	s5 =	simm.s32 $0xFFFFFFFF;
	p2 =	slt.u32 s8, $0xFFFFF086  }
0x1c: {  	p1 =	slt.u32 s9, $0xF7A;
	s5 =	simm.s32 @!p2 $0x0  }
0x1d: {  	s5 =	simm.s32 @p1 $0x1;
	p0 =	seq.s32 s7, s2  }
0x1e: {  	s7 =	smul.u32 @!p0 $0xF7A, s2;
	p2 =	seq.s32 @!p0 s5, $0x0  }
0x1f: {  	s9 =	smul.u32 $0xF7A, s1;
	s8 =	simm.s32 @!p0 $0x1BF5;
	p2 =	por !p2, p0  }
0x20: {  	[sflag:s8] =	ssyncset.s32 @!p0 $0xFFFFF086;
	s6 =	sadd.s32 @!p0 s3, s7;
	s7 =	simm.s32 @!p0 $0x108  }
0x21: {  	s3 =	sadd.s32 s3, s9;
	s6 =	sadd.s32 @!p0 $0x88, s6;
	s7 =	simm.s32 @p2 $0x1082  }
0x22: {  	[simem:s7], [sflag:s8] =	dma.local @!p0 [hbm:s6], $0xF7A  }
0x23: {  	s9 =	sor.u32 $0xD0000000, s2;
	s6 =	simm.s32 $0x108;
	_ =	swait.ge @!p0 [sflag:s8], $0x0  }
0x24: {  	s3 =	sadd.s32 $0x88, s3;
	s6 =	simm.s32 @!p1 $0x1082;
	[sflag:s4] =	ssyncset.s32 $0xFFFFF086  }
0x25: {  	[simem:s6], [sflag:s4] =	dma.local [hbm:s3], $0xF7A  }
0x26: {  	[smem:$0x3F9F] =	sst s1;
	(tag) =	ssettag s2;
	_ =	strace s9  }
0x27: {  	s1 =	sld [smem:$0x3FAF]  }
0x28: {  	s2 =	sld [smem:$0x3FB0]  }
0x29: {  	s4 =	sld [smem:$0x3FB2]  }
0x2a: {  	p0 =	seq.s32 s5, $0x0;
	s5 =	sld [smem:$0x3FB3]  }
0x2b: {  	s6 =	sld [smem:$0x3FB4]  }
0x2c: {  	s7 =	sld [smem:$0x3FB5]  }
0x2d: {  	s3 =	simm.s32 $0x108;
	s8 =	sld [smem:$0x3FB6]  }
0x2e: {  	s3 =	simm.s32 @!p0 $0x1082;
	s9 =	sld [smem:$0x3FB7]  }
0x2f: {  	lr =	sadd.s32 s0, s3;
	s0 =	sld [smem:$0x3FAE]  }
0x30: {  	s3 =	sld [smem:$0x3FB1]  }
0x31: {  	[smem:$0x3FBA] =	sst s10  }
0x32: {  	s10 =	sld [smem:$0x3FB8];
	_ =	sdelay $0x3  }
0x33: {  	p0 =	seq.s32 s10, $0x1;
	s10 =	sld [smem:$0x3FBA];
	_ =	sdelay $0x3  }
0x34: {  	[smem:$0x3FBA] =	sst s10  }
0x35: {  	s10 =	sld [smem:$0x3FB9];
	_ =	sdelay $0x3  }
0x36: {  	p1 =	seq.s32 s10, $0x1;
	s10 =	sld [smem:$0x3FBA];
	_ =	sdelay $0x3  }
0x37: {  	[smem:$0x3FBA] =	sst s10  }
0x38: {  	s10 =	sld [smem:$0x3FBB]  }
0x39: {  	_ = 	snop;
	(pc) =	sbr.ind lr, $3  }
0x3a: {  	_ = 	snop  }
0x3b: {  	_ = 	snop  }
0x3c: {  	p2 =	seq.s32 s10, $0x1;
	s10 =	sld [smem:$0x3FBA]  }
0x3d: {  	_ =	shalt  }
0x3e: {  	_ =	shalt  }
0x3f: {  	_ =	shalt  }
0x40: {  	_ =	shalt  }
0x41: {  	_ =	shalt  }
0x42: {  	_ =	shalt  }
0x43: {  	_ =	shalt  }
0x44: {  	_ =	shalt  }
0x45: {  	_ =	shalt  }
0x46: {  	_ =	shalt  }
0x47: {  	_ =	shalt  }
0x48: {  	_ =	shalt  }
0x49: {  	_ =	shalt  }
0x4a: {  	_ =	shalt  }
0x4b: {  	_ =	shalt  }
0x4c: {  	_ =	shalt  }
0x4d: {  	_ =	shalt  }
0x4e: {  	_ =	shalt  }
0x4f: {  	_ =	shalt  }
0x50: {  	_ =	shalt  }
0x51: {  	_ =	shalt  }
0x52: {  	_ =	shalt  }
0x53: {  	_ =	shalt  }
0x54: {  	_ =	shalt  }
0x55: {  	_ =	shalt  }
0x56: {  	_ =	shalt  }
0x57: {  	_ =	shalt  }
0x58: {  	_ =	shalt  }
0x59: {  	_ =	shalt  }
0x5a: {  	_ =	shalt  }
0x5b: {  	_ =	shalt  }
0x5c: {  	_ =	shalt  }
0x5d: {  	_ =	shalt  }
0x5e: {  	_ =	shalt  }
0x5f: {  	_ =	shalt  }
0x60: {  	_ =	shalt  }
0x61: {  	_ =	shalt  }
0x62: {  	_ =	shalt  }
0x63: {  	_ =	shalt  }
0x64: {  	_ =	shalt  }
0x65: {  	_ =	shalt  }
0x66: {  	_ =	shalt  }
0x67: {  	_ =	shalt  }
0x68: {  	_ =	shalt  }
0x69: {  	_ =	shalt  }
0x6a: {  	_ =	shalt  }
0x6b: {  	_ =	shalt  }
0x6c: {  	_ =	shalt  }
0x6d: {  	_ =	shalt  }
0x6e: {  	_ =	shalt  }
0x6f: {  	_ =	shalt  }
0x70: {  	_ =	shalt  }
0x71: {  	_ =	shalt  }
0x72: {  	_ =	shalt  }
0x73: {  	_ =	shalt  }
0x74: {  	_ =	shalt  }
0x75: {  	_ =	shalt  }
0x76: {  	_ =	shalt  }
0x77: {  	_ =	shalt  }
0x78: {  	_ =	shalt  }
0x79: {  	_ =	shalt  }
0x7a: {  	_ =	shalt  }
0x7b: {  	_ =	shalt  }
0x7c: {  	_ =	shalt  }
0x7d: {  	_ =	shalt  }
0x7e: {  	_ =	shalt  }
0x7f: {  	_ =	shalt  }
0x80: {  	_ =	shalt  }
0x81: {  	_ =	shalt  }
0x82: {  	_ =	shalt  }
0x83: {  	_ =	shalt  }
0x84: {  	_ =	shalt  }
0x85: {  	_ =	shalt  }
0x86: {  	_ =	shalt  }
0x87: {  	_ =	shalt  }
.Lfunc_end0:
.L_simem_size_0:
called_computation_lowered:
.L_overlay_start_0:
0x88: {  	s2 =	sld [smem:$0x3FD9]  }
0x89: {  	s3 =	sld [smem:$0x3FFE];
	_ =	sdelay $0x1  }
0x8a: {  	s1 =	srdreg.scid  }
0x8b: {  	s0 =	sand.u32 $0x1, s1  }
0x8c: {  	s16 =	sshll.u32 s0, $0xA;
	s2 =	sadd.s32 s3, s2  }
0x8d: {  	s2 =	sadd.s32 s2, s16  }
0x8e: {  	[smem:$0x3FC6] =	sst s2  }
0x8f: {  	_ = 	snop  }
0x90: {  	(tm) =	ssettm $0x1  }
0x91: {  	s17 =	sld [smem:$0x3FFB];
	_ =	sdelay $0x3  }
0x92: {  	_ =	strace s17  }
0x93: {  	s2 =	sld [smem:$0x3FFC];
	_ =	sdelay $0x3  }
0x94: {  	_ =	strace s2  }
0x95: {  	s2 =	sld [smem:$0x3FFD];
	_ =	sdelay $0x3  }
0x96: {  	_ =	strace s2  }
0x97: {  	_ =	strace $0x8FFFFFFF  }
0x98: {  	s18 =	sld [smem:$0x3FDB];
	_ =	sdelay $0x1  }
0x99: {  	s19 =	simm.s32 $_scs_section_size  }
0x9a: {  	s4 =	simm.s32 $_size__tile_overlayer_lowered;
	s5 =	simm.s32 $_tile_overlayer_lowered  }
0x9b: {  	s22 =	simm.s32 $0x1BFF;
	s21 =	sshll.u32 s5, $0x1;
	s2 =	sadd.s32 s19, s18  }
0x9c: {  	s6 =	simm.s32 $0x0;
	s20 =	sshll.u32 s4, $0x1;
	s4 =	sadd.s32 s21, s2  }
0x9d: {  	[timem:s6], [sflag:s22] =	dma.local [hbm:s4], s20  }
0x9e: {  	_ =	swait.ge [sflag:s22], s20  }
0x9f: {  	s3 =	ssub.s32 $0x0, s20;
	[sflag:s22] =	ssyncset.done $0x0  }
0xa0: {  	[sflag:s22] =	ssyncadd.s32 s3;
	_ =	sdelay $0x1  }
0xa1: {  	s23 =	simm.s32 $0x1B8B  }
0xa2: {  	_ =	swait.ge [sflag:s23], $0x1  }
0xa3: {  	[sflag:s23] =	ssyncset.done $0x0  }
0xa4: {  	s25 =	simm.s32 $0x1B8E;
	s24 =	sld [smem:$0x3FFE];
	[sflag:s23] =	ssyncadd.s32 $0xFFFFFFFF  }
0xa5: {  	s26 =	simm.s32 $execute0_lowered;
	[smem:$0x3FD2] =	sst s25  }
0xa6: {  	s4 =	sshll.u32 s26, $0x1;
	_ =	strace $0x80000046;
	[dreg:$0x1] =	wrdreg $0xFFFFFFFF  }
0xa7: {  	s28 =	simm.s32 $_size_execute0_lowered;
	s2 =	sadd.s32 s2, s4;
	[dreg:$0x0] =	wrdreg $0x0  }
0xa8: {  	s4 =	sshll.u32 s28, $0x1;
	[dreg:$0x2] =	wrdreg s2  }
0xa9: {  	[dreg:$0x3] =	wrdreg s4  }
0xaa: {  	[dreg:$0x4] =	wrdreg $0xC0  }
0xab: {  	_ =	task [dreg:s6], $0x5FFFF  }
0xac: {  	[dreg:$0x1] =	wrdreg $0xFFFFFFFF  }
0xad: {  	[dreg:$0x0] =	wrdreg $0x60  }
0xae: {  	[dreg:$0x2] =	wrdreg s24  }
0xaf: {  	[dreg:$0x3] =	wrdreg $0x9  }
0xb0: {  	_ =	task.clear_ibuf [dreg:s6], $0x4FFFF;
	_ =	strace $0x90000046  }
0xb1: {  	s29 =	simm.s32 $0x9;
	_ =	strace $0x80000048  }
0xb2: {  	_ =	swait.ge [sflag:s29], $0x1  }
0xb3: {  	[sflag:s29] =	ssyncadd.s32 $0xFFFFFFFF  }
0xb4: {  	_ =	strace $0x90000048  }
0xb5: {  	_ =	sfence  }
0xb6: {  	s30 =	sld [smem:$0x0];
	_ =	sdelay $0x2  }
0xb7: {  	s31 =	sshll.u32 s1, $0xD;
	s1 =	sshrl.u32 s1, $0x2  }
0xb8: {  	s3 =	sand.u32 $0x4000, s31;
	s1 =	sadd.s32 s1, s30  }
0xb9: {  	s0 =	sor.u32 s3, s0;
	s1 =	sshll.u32 s1, $0x11  }
0xba: {  	s0 =	sor.u32 s1, s0  }
0xbb: {  	s0 =	sadd.s32 $0x8F2B, s0  }
0xbc: {  	[sflag:s0] =	ssyncadd.remote.s32 $0x1  }
0xbd: {  	_ =	sfence.sel $0xFFFF  }
0xbe: {  	[dreg:$0x0] =	wrdreg $0xFFFFFFFF;
	(pc) =	sbr.abs _section_cstart, $3  }
0xbf: {  	[dreg:$0x1] =	wrdreg $0xFFFFFFFF  }
0xc0: {  	_ =	task.clear_ibuf [dreg:s6], $0x2FFFF;
	_ =	strace $0x9FFFFFFF  }
0xc1: {  	(tm) =	ssettm $0x7FFFFFFF  }
tec
execute0_lowered:
.L_overlay_start_1:
0x0: {  	(tag) =	ssettag $0x1  }
0x1: {  	v0 =	vlaneseq.u32  }
0x2: {  	v0 =	vmul.u32 $0x10, v0;
	_ =	sdelay $0x1  }
0x3: {  	v1 =	vor.u32 $0x1, v0;
	v15 =	vor.u32 $0xE, v0;
	v16 =	vor.u32 $0xF, v0  }
0x4: {  	v17 =	vor.u32 $0x100, v0;
	v18 =	vor.u32 $0x101, v0;
	v19 =	vor.u32 $0x102, v0  }
0x5: {  	v20 =	vor.u32 $0x103, v0;
	v21 =	vor.u32 $0x104, v0;
	v22 =	vor.u32 $0x105, v0  }
0x6: {  	v23 =	vor.u32 $0x106, v0;
	v24 =	vor.u32 $0x107, v0;
	v25 =	vor.u32 $0x108, v0  }
0x7: {  	v26 =	vor.u32 $0x109, v0;
	v27 =	vor.u32 $0x10A, v0;
	v28 =	vor.u32 $0x10B, v0  }
0x8: {  	v29 =	vor.u32 $0x10C, v0;
	v30 =	vor.u32 $0x10D, v0;
	v31 =	vor.u32 $0x10E, v0  }
0x9: {  	v32 =	vor.u32 $0x10F, v0;
	v33 =	vor.u32 $0x200, v0;
	v34 =	vor.u32 $0x201, v0  }
0xa: {  	v35 =	vor.u32 $0x202, v0;
	v36 =	vor.u32 $0x203, v0;
	[tilespmem:$0x1FF30] =	vst v1;
	v1 =	vor.u32 $0x2, v0  }
0xb: {  	v37 =	vor.u32 $0x204, v0;
	v38 =	vor.u32 $0x205, v0;
	[tilespmem:$0x1FF40] =	vst v1;
	v1 =	vor.u32 $0x3, v0  }
0xc: {  	v39 =	vor.u32 $0x206, v0;
	v40 =	vor.u32 $0x207, v0;
	[tilespmem:$0x1FF50] =	vst v1;
	v1 =	vor.u32 $0x4, v0  }
0xd: {  	v41 =	vor.u32 $0x208, v0;
	v42 =	vor.u32 $0x209, v0;
	[tilespmem:$0x1FF60] =	vst v1;
	v1 =	vor.u32 $0x5, v0  }
0xe: {  	s4 =	rddreg [dreg:$0x0];
	v43 =	vor.u32 $0x20A, v0;
	v44 =	vor.u32 $0x20B, v0;
	[tilespmem:$0x1FF70] =	vst v1;
	v1 =	vor.u32 $0x6, v0  }
0xf: {  	s0 =	rddreg [dreg:$0x1];
	s3 =	srdreg.scid;
	v45 =	vor.u32 $0x20C, v0;
	v46 =	vor.u32 $0x20D, v0;
	[tilespmem:$0x1FF80] =	vst v1;
	v1 =	vor.u32 $0x7, v0  }
0x10: {  	s2 =	simm.s32 $0x0;
	s1 =	stileid.u32;
	s9 =	simm.s32 $0x1000;
	v47 =	vor.u32 $0x20E, v0;
	v48 =	vor.u32 $0x20F, v0;
	[tilespmem:$0x1FF90] =	vst v1;
	v1 =	vor.u32 $0x8, v0  }
0x11: {  	s10 =	simm.s32 $0x1040;
	s11 =	simm.s32 $0x1080;
	s5 =	sand.u32 $0x1, s3;
	v49 =	vor.u32 $0x300, v0;
	v50 =	vor.u32 $0x301, v0;
	[tilespmem:$0x1FFA0] =	vst v1;
	v1 =	vor.u32 $0x9, v0  }
0x12: {  	[smem:$0x7FF] =	sst s2;
	s6 =	sshll.u32 s1, $0x7;
	s7 =	sshll.u32 s5, $0x6;
	v51 =	vor.u32 $0x302, v0;
	v52 =	vor.u32 $0x303, v0;
	[tilespmem:$0x1FFB0] =	vst v1;
	v1 =	vor.u32 $0xA, v0  }
0x13: {  	s3 =	sadd.s32 $0x800, s4;
	s5 =	ssub.s32 $0x2, s5;
	s6 =	sor.u32 s7, s6;
	v53 =	vor.u32 $0x304, v0;
	v54 =	vor.u32 $0x305, v0;
	[tilespmem:$0x1FFC0] =	vst v1;
	v1 =	vor.u32 $0xB, v0  }
0x14: {  	s31 =	sshrl.u32 s5, $0x1;
	v55 =	vor.u32 $0x306, v0;
	v56 =	vor.u32 $0x307, v0;
	s7 =	sshrl.u32 s6, $0x3;
	s6 =	sshll.u32 s6, $0x1;
	[tilespmem:$0x1FFD0] =	vst v1;
	v1 =	vor.u32 $0xC, v0  }
0x15: {  	v57 =	vor.u32 $0x308, v0;
	v58 =	vor.u32 $0x309, v0;
	s8 =	ssub.s32 s5, s31;
	s7 =	sadd.s32 s7, s4;
	s6 =	sadd.s32 s6, s4;
	[tilespmem:$0x1FFE0] =	vst v1;
	v1 =	vor.u32 $0xD, v0  }
0x16: {  	v12 =	vimm.f32 $0.0e+00;
	v59 =	vor.u32 $0x30A, v0;
	v60 =	vor.u32 $0x30B, v0;
	s4 =	sadd.s32 $0x600, s7;
	s5 =	sadd.s32 $0x700, s7;
	s6 =	sadd.s32 $0xA00, s6;
	[tilespmem:$0x1FFF0] =	vst v1  }
0x17: {  	v61 =	vor.u32 $0x30C, v0;
	v62 =	vor.u32 $0x30D, v0;
	v63 =	vor.u32 $0x30E, v0;
	s7 =	smax.u32 s8, $0x1;
	s8 =	simm.s32 $0x1;
	_ =	strace $0x80000047  }
.LBB2_1:
0x18: {  	[tilespmem:s2], [sflag:$0x1] =	stream.linear.gather [hbm4b:s3+s2], $0x1000, $0x38;
	[tilespmem:$0x1480] =	vst v63  }
0x19: {  	_ =	swait.ge [sflag:s8], $0x1000  }
0x1a: {  	[sflag:s8] =	ssyncset.done $0x0  }
0x1b: {  	[sflag:s8] =	ssyncadd.s32 $0xFFFFF000  }
0x1c: {  	[tilespmem:s9], [sflag:$0x1] =	stream.linear.gather [hbm4b:s4+s2], $0x40, $0x38;
	[tilespmem:$0x1480] =	vst v63  }
0x1d: {  	_ =	swait.ge [sflag:s8], $0x40  }
0x1e: {  	[sflag:s8] =	ssyncset.done $0x0  }
0x1f: {  	[sflag:s8] =	ssyncadd.s32 $0xFFFFFFC0  }
0x20: {  	[tilespmem:s10], [sflag:$0x1] =	stream.linear.gather [hbm4b:s5+s2], $0x40, $0x38;
	[tilespmem:$0x1480] =	vst v63  }
0x21: {  	_ =	swait.ge [sflag:s8], $0x40  }
0x22: {  	[sflag:s8] =	ssyncset.done $0x0  }
0x23: {  	[sflag:s8] =	ssyncadd.s32 $0xFFFFFFC0  }
0x24: {  	v1 =	vld [tilespmem:$0x1000]  }
0x25: {  	v2 =	vld [tilespmem:$0x1040];
	_ =	sdelay $0x3  }
0x26: {  	v3 =	vshll.u32 v1, $0x1  }
0x27: {  	v5 =	vshll.u32 v2, $0x1  }
0x28: {  	v4 =	vor.u32 $0x1, v3  }
0x29: {  	v6 =	vor.u32 $0x1, v5;
	_ =	sdelay $0x1  }
0x2a: {  	v3 =	vld.idx.msk [tilespmem:v3+s2+$0x0], $0xffff  }
0x2b: {  	v5 =	vld.idx.msk [tilespmem:v5+s2+$0x0], $0xffff  }
0x2c: {  	v4 =	vld.idx.msk [tilespmem:v4+s2+$0x0], $0xffff  }
0x2d: {  	v6 =	vld.idx.msk [tilespmem:v6+s2+$0x0], $0xffff;
	_ =	sdelay $0x4  }
0x2e: {  	v7 =	vsub.f32 v5, v3;
	v8 =	vsub.f32 v6, v4;
	_ =	sdelay $0x1  }
0x2f: {  	v9 =	vmul.f32 v7, v7;
	v10 =	vmul.f32 v8, v8;
	_ =	sdelay $0x1  }
0x30: {  	v9 =	vadd.f32 v10, v9;
	_ =	sdelay $0x1  }
0x31: {  	v10 =	vmax.f32 v9, $9.999999960e-13;
	v11 =	vshrl.u32 v9, $0x1  }
0x32: {  	(erf) = vrcp.f32 v10;
	v11 =	vadd.s32 $0x1FBD1DF6, v11  }
0x33: {  	(erf) = vrcp.f32 v11;
	_ =	sdelay $0x7  }
0x34: {  	v13 =	vpop (erf)  }
0x35: {  	v14 =	vpop (erf)  }
0x36: {  	v14 =	vmul.f32 v14, v9;
	_ =	sdelay $0x1  }
0x37: {  	v11 =	vadd.f32 v11, v14;
	_ =	sdelay $0x1  }
0x38: {  	v11 =	vmul.f32 $5.000000000e-01, v11;
	_ =	sdelay $0x1  }
0x39: {  	(erf) = vrcp.f32 v11;
	_ =	sdelay $0x8  }
0x3a: {  	v14 =	vpop (erf)  }
0x3b: {  	v14 =	vmul.f32 v14, v9;
	_ =	sdelay $0x1  }
0x3c: {  	v11 =	vadd.f32 v14, v11;
	_ =	sdelay $0x1  }
0x3d: {  	v11 =	vmul.f32 $5.000000000e-01, v11;
	_ =	sdelay $0x1  }
0x3e: {  	(erf) = vrcp.f32 v11;
	_ =	sdelay $0x8  }
0x3f: {  	v14 =	vpop (erf)  }
0x40: {  	v9 =	vmul.f32 v14, v9  }
0x41: {  	v14 =	vld [tilespmem:$0x1FF30]  }
0x42: {  	[tilespmem:v0+s11+$0x0] =	vst.idx.msk $0xffff, v3;
	v3 =	vadd.f32 v5, v3;
	v5 =	vadd.f32 v9, v11;
	v9 =	vld [tilespmem:$0x1FF40];
	_ =	sdelay $0x6  }
0x43: {  	[tilespmem:v14+s11+$0x0] =	vst.idx.msk $0xffff, v4  }
0x44: {  	[tilespmem:v9+s11+$0x0] =	vst.idx.msk $0xffff, v7;
	v9 =	vld [tilespmem:$0x1FF50]  }
0x45: {  	v11 =	vld [tilespmem:$0x1FF60];
	_ =	sdelay $0x6  }
0x46: {  	[tilespmem:v9+s11+$0x0] =	vst.idx.msk $0xffff, v8;
	v9 =	vld [tilespmem:$0x1FF70]  }
0x47: {  	[tilespmem:v11+s11+$0x0] =	vst.idx.msk $0xffff, v10;
	v10 =	vld [tilespmem:$0x1FF80];
	_ =	sdelay $0x5  }
0x48: {  	v3 =	vmul.f32 $5.000000000e-01, v3  }
0x49: {  	[tilespmem:v9+s11+$0x0] =	vst.idx.msk $0xffff, v13  }
0x4a: {  	[tilespmem:v10+s11+$0x0] =	vst.idx.msk $0xffff, v3;
	v3 =	vld [tilespmem:$0x1FF90];
	_ =	sdelay $0x3  }
0x4b: {  	v4 =	vadd.f32 v6, v4;
	_ =	sdelay $0x1  }
0x4c: {  	v4 =	vmul.f32 $5.000000000e-01, v4;
	_ =	sdelay $0x1  }
0x4d: {  	[tilespmem:v3+s11+$0x0] =	vst.idx.msk $0xffff, v4;
	v3 =	vld [tilespmem:$0x1FFA0];
	_ =	sdelay $0x3  }
0x4e: {  	v5 =	vmul.f32 $5.000000000e-01, v5;
	_ =	sdelay $0x1  }
0x4f: {  	v5 =	vmul.f32 $5.000000000e-01, v5;
	_ =	sdelay $0x1  }
0x50: {  	[tilespmem:v3+s11+$0x0] =	vst.idx.msk $0xffff, v5;
	v3 =	vld [tilespmem:$0x1FFB0];
	_ =	sdelay $0x5  }
0x51: {  	v1 =	vcvt.s32.f32 v1;
	_ =	sdelay $0x1  }
0x52: {  	[tilespmem:v3+s11+$0x0] =	vst.idx.msk $0xffff, v1;
	v1 =	vld [tilespmem:$0x1FFC0];
	_ =	sdelay $0x5  }
0x53: {  	v2 =	vcvt.s32.f32 v2;
	_ =	sdelay $0x1  }
0x54: {  	[tilespmem:v1+s11+$0x0] =	vst.idx.msk $0xffff, v2;
	v1 =	vld [tilespmem:$0x1FFD0];
	_ =	sdelay $0x7  }
0x55: {  	[tilespmem:v1+s11+$0x0] =	vst.idx.msk $0xffff, v12;
	v1 =	vld [tilespmem:$0x1FFE0];
	_ =	sdelay $0x7  }
0x56: {  	[tilespmem:v1+s11+$0x0] =	vst.idx.msk $0xffff, v12;
	v1 =	vld [tilespmem:$0x1FFF0];
	_ =	sdelay $0x7  }
0x57: {  	[tilespmem:v1+s11+$0x0] =	vst.idx.msk $0xffff, v12  }
0x58: {  	[tilespmem:v15+s11+$0x0] =	vst.idx.msk $0xffff, v12  }
0x59: {  	[tilespmem:v16+s11+$0x0] =	vst.idx.msk $0xffff, v12  }
0x5a: {  	v1 =	vld [tilespmem:$0x1010]  }
0x5b: {  	v2 =	vld [tilespmem:$0x1050];
	_ =	sdelay $0x3  }
0x5c: {  	v3 =	vshll.u32 v1, $0x1  }
0x5d: {  	v9 =	vshll.u32 v2, $0x1  }
0x5e: {  	v11 =	vor.u32 $0x1, v3  }
0x5f: {  	v10 =	vor.u32 $0x1, v9;
	_ =	sdelay $0x1  }
0x60: {  	v3 =	vld.idx.msk [tilespmem:v3+s2+$0x0], $0xffff  }
0x61: {  	v5 =	vld.idx.msk [tilespmem:v9+s2+$0x0], $0xffff  }
0x62: {  	v4 =	vld.idx.msk [tilespmem:v11+s2+$0x0], $0xffff  }
0x63: {  	v6 =	vld.idx.msk [tilespmem:v10+s2+$0x0], $0xffff;
	_ =	sdelay $0x4  }
0x64: {  	v7 =	vsub.f32 v5, v3;
	v8 =	vsub.f32 v6, v4;
	_ =	sdelay $0x1  }
0x65: {  	v9 =	vmul.f32 v7, v7;
	v10 =	vmul.f32 v8, v8;
	_ =	sdelay $0x1  }
0x66: {  	v9 =	vadd.f32 v10, v9;
	_ =	sdelay $0x1  }
0x67: {  	v10 =	vmax.f32 v9, $9.999999960e-13;
	v11 =	vshrl.u32 v9, $0x1  }
0x68: {  	(erf) = vrcp.f32 v10;
	v11 =	vadd.s32 $0x1FBD1DF6, v11  }
0x69: {  	(erf) = vrcp.f32 v11;
	_ =	sdelay $0x7  }
0x6a: {  	v13 =	vpop (erf)  }
0x6b: {  	v14 =	vpop (erf)  }
0x6c: {  	v14 =	vmul.f32 v14, v9;
	_ =	sdelay $0x1  }
0x6d: {  	v11 =	vadd.f32 v11, v14;
	_ =	sdelay $0x1  }
0x6e: {  	v11 =	vmul.f32 $5.000000000e-01, v11;
	_ =	sdelay $0x1  }
0x6f: {  	(erf) = vrcp.f32 v11;
	_ =	sdelay $0x8  }
0x70: {  	v14 =	vpop (erf)  }
0x71: {  	v14 =	vmul.f32 v14, v9;
	_ =	sdelay $0x1  }
0x72: {  	v11 =	vadd.f32 v14, v11;
	_ =	sdelay $0x1  }
0x73: {  	v11 =	vmul.f32 $5.000000000e-01, v11;
	_ =	sdelay $0x1  }
0x74: {  	(erf) = vrcp.f32 v11;
	_ =	sdelay $0x8  }
0x75: {  	v14 =	vpop (erf)  }
0x76: {  	[tilespmem:v17+s11+$0x0] =	vst.idx.msk $0xffff, v3;
	v9 =	vmul.f32 v14, v9  }
0x77: {  	[tilespmem:v18+s11+$0x0] =	vst.idx.msk $0xffff, v4  }
0x78: {  	v3 =	vadd.f32 v5, v3;
	[tilespmem:v19+s11+$0x0] =	vst.idx.msk $0xffff, v7;
	v11 =	vadd.f32 v9, v11  }
0x79: {  	v4 =	vadd.f32 v6, v4;
	[tilespmem:v20+s11+$0x0] =	vst.idx.msk $0xffff, v8  }
0x7a: {  	v3 =	vmul.f32 $5.000000000e-01, v3;
	[tilespmem:v21+s11+$0x0] =	vst.idx.msk $0xffff, v10;
	v5 =	vmul.f32 $5.000000000e-01, v11  }
0x7b: {  	v4 =	vmul.f32 $5.000000000e-01, v4;
	[tilespmem:v22+s11+$0x0] =	vst.idx.msk $0xffff, v13  }
0x7c: {  	[tilespmem:v23+s11+$0x0] =	vst.idx.msk $0xffff, v3;
	v5 =	vmul.f32 $5.000000000e-01, v5  }
0x7d: {  	v1 =	vcvt.s32.f32 v1;
	[tilespmem:v24+s11+$0x0] =	vst.idx.msk $0xffff, v4  }
0x7e: {  	v2 =	vcvt.s32.f32 v2;
	[tilespmem:v25+s11+$0x0] =	vst.idx.msk $0xffff, v5  }
0x7f: {  	[tilespmem:v26+s11+$0x0] =	vst.idx.msk $0xffff, v1  }
0x80: {  	[tilespmem:v27+s11+$0x0] =	vst.idx.msk $0xffff, v2  }
0x81: {  	[tilespmem:v28+s11+$0x0] =	vst.idx.msk $0xffff, v12  }
0x82: {  	[tilespmem:v29+s11+$0x0] =	vst.idx.msk $0xffff, v12  }
0x83: {  	[tilespmem:v30+s11+$0x0] =	vst.idx.msk $0xffff, v12  }
0x84: {  	[tilespmem:v31+s11+$0x0] =	vst.idx.msk $0xffff, v12  }
0x85: {  	[tilespmem:v32+s11+$0x0] =	vst.idx.msk $0xffff, v12  }
0x86: {  	v1 =	vld [tilespmem:$0x1020]  }
0x87: {  	v2 =	vld [tilespmem:$0x1060];
	_ =	sdelay $0x3  }
0x88: {  	v3 =	vshll.u32 v1, $0x1  }
0x89: {  	v10 =	vshll.u32 v2, $0x1  }
0x8a: {  	v9 =	vor.u32 $0x1, v3  }
0x8b: {  	v11 =	vor.u32 $0x1, v10;
	_ =	sdelay $0x1  }
0x8c: {  	v3 =	vld.idx.msk [tilespmem:v3+s2+$0x0], $0xffff  }
0x8d: {  	v5 =	vld.idx.msk [tilespmem:v10+s2+$0x0], $0xffff  }
0x8e: {  	v4 =	vld.idx.msk [tilespmem:v9+s2+$0x0], $0xffff  }
0x8f: {  	v6 =	vld.idx.msk [tilespmem:v11+s2+$0x0], $0xffff;
	_ =	sdelay $0x4  }
0x90: {  	v7 =	vsub.f32 v5, v3;
	v8 =	vsub.f32 v6, v4;
	_ =	sdelay $0x1  }
0x91: {  	v9 =	vmul.f32 v7, v7;
	v10 =	vmul.f32 v8, v8;
	_ =	sdelay $0x1  }
0x92: {  	v9 =	vadd.f32 v10, v9;
	_ =	sdelay $0x1  }
0x93: {  	v10 =	vmax.f32 v9, $9.999999960e-13;
	v11 =	vshrl.u32 v9, $0x1  }
0x94: {  	(erf) = vrcp.f32 v10;
	v11 =	vadd.s32 $0x1FBD1DF6, v11  }
0x95: {  	(erf) = vrcp.f32 v11;
	_ =	sdelay $0x7  }
0x96: {  	v13 =	vpop (erf)  }
0x97: {  	v14 =	vpop (erf)  }
0x98: {  	v14 =	vmul.f32 v14, v9;
	_ =	sdelay $0x1  }
0x99: {  	v11 =	vadd.f32 v11, v14;
	_ =	sdelay $0x1  }
0x9a: {  	v11 =	vmul.f32 $5.000000000e-01, v11;
	_ =	sdelay $0x1  }
0x9b: {  	(erf) = vrcp.f32 v11;
	_ =	sdelay $0x8  }
0x9c: {  	v14 =	vpop (erf)  }
0x9d: {  	v14 =	vmul.f32 v14, v9;
	_ =	sdelay $0x1  }
0x9e: {  	v11 =	vadd.f32 v14, v11;
	_ =	sdelay $0x1  }
0x9f: {  	v11 =	vmul.f32 $5.000000000e-01, v11;
	_ =	sdelay $0x1  }
0xa0: {  	(erf) = vrcp.f32 v11;
	_ =	sdelay $0x8  }
0xa1: {  	v14 =	vpop (erf)  }
0xa2: {  	[tilespmem:v33+s11+$0x0] =	vst.idx.msk $0xffff, v3;
	v9 =	vmul.f32 v14, v9  }
0xa3: {  	[tilespmem:v34+s11+$0x0] =	vst.idx.msk $0xffff, v4  }
0xa4: {  	v3 =	vadd.f32 v5, v3;
	[tilespmem:v35+s11+$0x0] =	vst.idx.msk $0xffff, v7;
	v9 =	vadd.f32 v9, v11  }
0xa5: {  	v4 =	vadd.f32 v6, v4;
	[tilespmem:v36+s11+$0x0] =	vst.idx.msk $0xffff, v8  }
0xa6: {  	v3 =	vmul.f32 $5.000000000e-01, v3;
	[tilespmem:v37+s11+$0x0] =	vst.idx.msk $0xffff, v10;
	v5 =	vmul.f32 $5.000000000e-01, v9  }
0xa7: {  	v4 =	vmul.f32 $5.000000000e-01, v4;
	[tilespmem:v38+s11+$0x0] =	vst.idx.msk $0xffff, v13  }
0xa8: {  	[tilespmem:v39+s11+$0x0] =	vst.idx.msk $0xffff, v3;
	v5 =	vmul.f32 $5.000000000e-01, v5  }
0xa9: {  	v1 =	vcvt.s32.f32 v1;
	[tilespmem:v40+s11+$0x0] =	vst.idx.msk $0xffff, v4  }
0xaa: {  	v2 =	vcvt.s32.f32 v2;
	[tilespmem:v41+s11+$0x0] =	vst.idx.msk $0xffff, v5  }
0xab: {  	[tilespmem:v42+s11+$0x0] =	vst.idx.msk $0xffff, v1  }
0xac: {  	[tilespmem:v43+s11+$0x0] =	vst.idx.msk $0xffff, v2  }
0xad: {  	[tilespmem:v44+s11+$0x0] =	vst.idx.msk $0xffff, v12  }
0xae: {  	[tilespmem:v45+s11+$0x0] =	vst.idx.msk $0xffff, v12  }
0xaf: {  	[tilespmem:v46+s11+$0x0] =	vst.idx.msk $0xffff, v12  }
0xb0: {  	[tilespmem:v47+s11+$0x0] =	vst.idx.msk $0xffff, v12  }
0xb1: {  	[tilespmem:v48+s11+$0x0] =	vst.idx.msk $0xffff, v12  }
0xb2: {  	v1 =	vld [tilespmem:$0x1030]  }
0xb3: {  	v2 =	vld [tilespmem:$0x1070];
	_ =	sdelay $0x3  }
0xb4: {  	v3 =	vshll.u32 v1, $0x1  }
0xb5: {  	v9 =	vshll.u32 v2, $0x1  }
0xb6: {  	v11 =	vor.u32 $0x1, v3  }
0xb7: {  	v10 =	vor.u32 $0x1, v9;
	_ =	sdelay $0x1  }
0xb8: {  	v3 =	vld.idx.msk [tilespmem:v3+s2+$0x0], $0xffff  }
0xb9: {  	v5 =	vld.idx.msk [tilespmem:v9+s2+$0x0], $0xffff  }
0xba: {  	v4 =	vld.idx.msk [tilespmem:v11+s2+$0x0], $0xffff  }
0xbb: {  	v6 =	vld.idx.msk [tilespmem:v10+s2+$0x0], $0xffff;
	_ =	sdelay $0x4  }
0xbc: {  	v7 =	vsub.f32 v5, v3;
	v8 =	vsub.f32 v6, v4;
	_ =	sdelay $0x1  }
0xbd: {  	v9 =	vmul.f32 v7, v7;
	v10 =	vmul.f32 v8, v8;
	_ =	sdelay $0x1  }
0xbe: {  	v9 =	vadd.f32 v10, v9;
	_ =	sdelay $0x1  }
0xbf: {  	v10 =	vmax.f32 v9, $9.999999960e-13;
	v11 =	vshrl.u32 v9, $0x1  }
0xc0: {  	(erf) = vrcp.f32 v10;
	v11 =	vadd.s32 $0x1FBD1DF6, v11  }
0xc1: {  	(erf) = vrcp.f32 v11;
	_ =	sdelay $0x7  }
0xc2: {  	v13 =	vpop (erf)  }
0xc3: {  	v14 =	vpop (erf)  }
0xc4: {  	v14 =	vmul.f32 v14, v9;
	_ =	sdelay $0x1  }
0xc5: {  	v11 =	vadd.f32 v11, v14;
	_ =	sdelay $0x1  }
0xc6: {  	v11 =	vmul.f32 $5.000000000e-01, v11;
	_ =	sdelay $0x1  }
0xc7: {  	(erf) = vrcp.f32 v11;
	_ =	sdelay $0x8  }
0xc8: {  	v14 =	vpop (erf)  }
0xc9: {  	v14 =	vmul.f32 v14, v9;
	_ =	sdelay $0x1  }
0xca: {  	v11 =	vadd.f32 v14, v11;
	_ =	sdelay $0x1  }
0xcb: {  	v11 =	vmul.f32 $5.000000000e-01, v11;
	_ =	sdelay $0x1  }
0xcc: {  	(erf) = vrcp.f32 v11;
	_ =	sdelay $0x8  }
0xcd: {  	v14 =	vpop (erf)  }
0xce: {  	[tilespmem:v49+s11+$0x0] =	vst.idx.msk $0xffff, v3;
	v9 =	vmul.f32 v14, v9  }
0xcf: {  	[tilespmem:v50+s11+$0x0] =	vst.idx.msk $0xffff, v4  }
0xd0: {  	v3 =	vadd.f32 v5, v3;
	[tilespmem:v51+s11+$0x0] =	vst.idx.msk $0xffff, v7;
	v11 =	vadd.f32 v9, v11  }
0xd1: {  	v4 =	vadd.f32 v6, v4;
	[tilespmem:v52+s11+$0x0] =	vst.idx.msk $0xffff, v8  }
0xd2: {  	v3 =	vmul.f32 $5.000000000e-01, v3;
	[tilespmem:v53+s11+$0x0] =	vst.idx.msk $0xffff, v10;
	v5 =	vmul.f32 $5.000000000e-01, v11  }
0xd3: {  	v4 =	vmul.f32 $5.000000000e-01, v4;
	[tilespmem:v54+s11+$0x0] =	vst.idx.msk $0xffff, v13  }
0xd4: {  	[tilespmem:v55+s11+$0x0] =	vst.idx.msk $0xffff, v3;
	v3 =	vmul.f32 $5.000000000e-01, v5  }
0xd5: {  	v1 =	vcvt.s32.f32 v1;
	[tilespmem:v56+s11+$0x0] =	vst.idx.msk $0xffff, v4  }
0xd6: {  	v2 =	vcvt.s32.f32 v2;
	[tilespmem:v57+s11+$0x0] =	vst.idx.msk $0xffff, v3  }
0xd7: {  	[tilespmem:v58+s11+$0x0] =	vst.idx.msk $0xffff, v1  }
0xd8: {  	v1 =	vor.u32 $0x30F, v0;
	[tilespmem:v59+s11+$0x0] =	vst.idx.msk $0xffff, v2  }
0xd9: {  	[tilespmem:v60+s11+$0x0] =	vst.idx.msk $0xffff, v12  }
0xda: {  	[tilespmem:v61+s11+$0x0] =	vst.idx.msk $0xffff, v12  }
0xdb: {  	[tilespmem:v62+s11+$0x0] =	vst.idx.msk $0xffff, v12  }
0xdc: {  	p0 =	sne.s32 s7, $0x1;
	[tilespmem:v63+s11+$0x0] =	vst.idx.msk $0xffff, v12  }
.Ltmp0:
0xdd: {  	[tilespmem:v1+s11+$0x0] =	vst.idx.msk $0xffff, v12;
	(pc) =	sbr.rel @p0 .LBB2_1-.Ltmp0, $4  }
0xde: {  	[hbm4b:s6+s2] =	stream.linear.scatter [tilespmem:s11], [sflag:$0x1], $0x400, $0x38;
	[tilespmem:$0x1480] =	vst v63  }
0xdf: {  	_ =	swait.ge [sflag:s8], $0x400  }
0xe0: {  	[sflag:s8] =	ssyncset.done $0x0  }
0xe1: {  	s7 =	sadd.s32 $0xFFFFFFFF, s7;
	[sflag:s8] =	ssyncadd.s32 $0xFFFFFC00  }
0xe2: {  	_ =	sfence.sel $0x180000  }
0xe3: {  	[bflag:$0x0] =	sbarrier.arrive $0xFFFF  }
0xe4: {  	p0 =	sne.s32 s1, $0x0;
	_ =	strace $0x90000047  }
0xe5: {  	s0 =	sadd.s32 @!p0 $0x100000, s0;
	[bflag:$0x2] =	sbarrier.arrive $0xFFFF  }
0xe6: {  	[sflag:s0] =	ssyncadd.tile.s32 @!p0 $0x1;
	_ =	shalt  }
.Lfunc_end2:
_tile_overlayer_lowered:
.L_overlay_start_2:
0xe7: {  	(tag) =	ssettag $0x2  }
0xe8: {  	s0 =	rddreg [dreg:$0x0];
	s2 =	stileid.u32  }
0xe9: {  	s1 =	rddreg [dreg:$0x1];
	p0 =	sne.s32 s2, $0x0  }
0xea: {  	s3 =	rddreg [dreg:$0x2];
	[bflag:$0x3] =	sbarrier.arrive $0xFFFF;
	s2 =	simm.s32 @!p0 $0x1C01  }
0xeb: {  	[timem:s3], [sflag:s2] =	dma.local @!p0 [hbm:s0], s1  }
0xec: {  	s0 =	simm.s32 @!p0 $0x1  }
0xed: {  	_ =	swait.ge @!p0 [sflag:s0], s1  }
0xee: {  	s1 =	ssub.s32 @!p0 $0x0, s1;
	[sflag:s0] =	ssyncset.done @!p0 $0x0  }
0xef: {  	[sflag:s0] =	ssyncadd.s32 @!p0 s1  }
0xf0: {  	[bflag:$0x3] =	sbarrier.arrive $0xFFFF  }
0xf1: {  	_ =	shalt  }

</sc_bundles>
